<compile_context>
chip_gen: v7x
topology: tpu7x:2x2x1
jax: 0.10.2.dev20260603
libtpu: 0.0.44.dev20260713+nightly
codegen_flags: <defaults>
</compile_context>

<pallas_src>
import functools
import jax
import jax.numpy as jnp
from jax import lax
from jax.experimental import pallas as pl
from jax.experimental.pallas import tpu as pltpu
from jax.experimental.pallas import tpu_sc as plsc

N = 20000
E = 100000
IN_CH = 32
OUT_CH = 32
HID = 6
RADIUS = 0.2

NC = 2
NS = 16
NW = NC * NS
B = 128
CHUNKS = 25
EPW = B * CHUNKS
EPAD = NW * EPW
NYPAD = 20480
YW = (HID + 1) * OUT_CH
YW2 = YW + 16
MW = 48
NACC = 20480
RPT = NACC // NS


def _mm_body(x_ref, w_ref, c_ref, o_ref):
    y = jnp.dot(x_ref[...], w_ref[...],
                preferred_element_type=jnp.float32,
                precision=jax.lax.Precision.HIGHEST)
    o_ref[...] = jnp.concatenate([y, c_ref[...]], axis=1)


def _fin_body(p_ref, o_ref):
    s = p_ref[0] + p_ref[1]
    cnt = jnp.maximum(s[:, OUT_CH:OUT_CH + 1], 1.0)
    o_ref[...] = s[:, :OUT_CH] / cnt


def _sc_body(y_hbm, coords_hbm, src_hbm, dst_hbm, const_hbm, part_hbm,
             cd_v, rows_v, msg_v, sidx_v, didx_v, const_v, outw,
             sem_a, sem_c):
    cid = lax.axis_index("c")
    sid = lax.axis_index("s")
    wid = cid * NS + sid
    buf = (cd_v, rows_v, msg_v, sem_a, sem_c)

    zero = jnp.zeros((16,), jnp.float32)

    def zrow(i, _):
        msg_v[i, pl.ds(0, 16)] = zero
        msg_v[i, pl.ds(16, 16)] = zero
        msg_v[i, pl.ds(32, 16)] = zero
        return 0
    lax.fori_loop(0, B, zrow, 0)

    base = sid * RPT

    def zchunk(t, _):
        pltpu.sync_copy(msg_v, outw.at[pl.ds(base + t * B, B)])
        return 0
    lax.fori_loop(0, RPT // B, zchunk, 0)

    pltpu.sync_copy(const_hbm, const_v)
    pltpu.sync_copy(src_hbm.at[wid], sidx_v)
    pltpu.sync_copy(dst_hbm.at[wid], didx_v)
    w1a = const_v[0]
    w1b = const_v[1]
    b1v = const_v[2]
    oneh = const_v[3]
    oneh0 = const_v[4]

    plsc.subcore_barrier()

    def issue(j, b):
        cd_v, rows_v, _, sem_a, sem_c = b
        return (pltpu.async_copy(coords_hbm.at[didx_v.at[j]], cd_v, sem_a),
                pltpu.async_copy(y_hbm.at[sidx_v.at[j]], rows_v, sem_c))

    def compute(j, b):
        cd_v, rows_v, msg_v, _, _ = b

        def _edge_loop(e, carry):
            _edge_body(e)
            return carry

        def _edge_body(e):
            dv = cd_v[e] - rows_v[e, pl.ds(YW, 16)]
            av = jnp.abs(dv)
            a0 = jnp.broadcast_to(av[0], (16,))
            a1 = jnp.broadcast_to(av[1], (16,))
            sv = jnp.where(jnp.maximum(a0, a1) < RADIUS,
                           1.0, 0.0).astype(jnp.float32)
            hv = jnp.maximum(w1a * dv[0] + w1b * dv[1] + b1v, 0.0)
            cvec = (hv + oneh) * sv
            c6 = cvec[HID]
            acc0 = rows_v[e, pl.ds(HID * 32, 16)] * c6
            acc1 = rows_v[e, pl.ds(HID * 32 + 16, 16)] * c6
            for k in range(HID):
                ck = cvec[k]
                acc0 = acc0 + rows_v[e, pl.ds(k * 32, 16)] * ck
                acc1 = acc1 + rows_v[e, pl.ds(k * 32 + 16, 16)] * ck
            msg_v[e, pl.ds(0, 16)] = acc0
            msg_v[e, pl.ds(16, 16)] = acc1
            msg_v[e, pl.ds(OUT_CH, 16)] = oneh0 * sv

        lax.fori_loop(0, B, _edge_loop, 0, unroll=4)

    def scatter(j, b):
        msg_v = b[2]
        pltpu.sync_copy(msg_v, outw.at[didx_v.at[j]], add=True)

    def step(j, _):
        for d in issue(j, buf):
            d.wait()
        compute(j, buf)
        scatter(j, buf)
        return 0
    lax.fori_loop(0, CHUNKS, step, 0)

    plsc.subcore_barrier()

    pltpu.sync_copy(outw.at[pl.ds(base, RPT)],
                    part_hbm.at[cid, pl.ds(base, RPT)])


@jax.jit
def _run(x, coords, edge_index, W1, b1, W2, b2):
    f32 = jnp.float32
    Wbig = jnp.concatenate(
        [W2.reshape(HID, IN_CH, OUT_CH).transpose(1, 0, 2).reshape(IN_CH, HID * OUT_CH),
         b2.reshape(IN_CH, OUT_CH)], axis=1)

    coordsp = jnp.zeros((NYPAD, 16), f32)
    coordsp = coordsp.at[:N, :2].set(coords)
    coordsp = coordsp.at[N:, 0].set(1e9)

    xp = jnp.pad(x, ((0, NYPAD - N), (0, 0)))
    Y = pl.pallas_call(
        _mm_body,
        grid=(NYPAD // 1024,),
        in_specs=[pl.BlockSpec((1024, IN_CH), lambda i: (i, 0)),
                  pl.BlockSpec((IN_CH, YW), lambda i: (0, 0)),
                  pl.BlockSpec((1024, 16), lambda i: (i, 0))],
        out_specs=pl.BlockSpec((1024, YW2), lambda i: (i, 0)),
        out_shape=jax.ShapeDtypeStruct((NYPAD, YW2), f32),
    )(xp, Wbig, coordsp)

    src = edge_index[0].astype(jnp.int32)
    dst = edge_index[1].astype(jnp.int32)
    pad = EPAD - E
    srcp = jnp.concatenate([src, jnp.full((pad,), N, jnp.int32)]).reshape(NW, CHUNKS, B)
    dstp = jnp.concatenate([dst, jnp.zeros((pad,), jnp.int32)]).reshape(NW, CHUNKS, B)

    consts = jnp.zeros((8, 16), f32)
    consts = consts.at[0, :HID].set(W1[0])
    consts = consts.at[1, :HID].set(W1[1])
    consts = consts.at[2, :HID].set(b1)
    consts = consts.at[3, HID].set(1.0)
    consts = consts.at[4, 0].set(1.0)

    mesh = plsc.VectorSubcoreMesh(core_axis_name="c", subcore_axis_name="s")
    partials = pl.kernel(
        _sc_body,
        out_type=jax.ShapeDtypeStruct((NC, NACC, MW), f32),
        mesh=mesh,
        compiler_params=pltpu.CompilerParams(use_tc_tiling_on_sc=False),
        scratch_types=(
            [pltpu.VMEM((B, 16), f32),
             pltpu.VMEM((B, YW2), f32),
             pltpu.VMEM((B, MW), f32),
             pltpu.VMEM((CHUNKS, B), jnp.int32),
             pltpu.VMEM((CHUNKS, B), jnp.int32),
             pltpu.VMEM((8, 16), f32),
             pltpu.VMEM_SHARED((NACC, MW), f32)]
            + [pltpu.SemaphoreType.DMA] * 2),
    )(Y, coordsp, srcp, dstp, consts)

    out = pl.pallas_call(
        _fin_body,
        grid=(N // 1000,),
        in_specs=[pl.BlockSpec((NC, 1000, MW), lambda i: (0, i, 0))],
        out_specs=pl.BlockSpec((1000, OUT_CH), lambda i: (i, 0)),
        out_shape=jax.ShapeDtypeStruct((N, OUT_CH), f32),
    )(partials)
    return out


def kernel(x, coords, edge_index, W1, b1, W2, b2):
    return _run(x, coords, edge_index, W1, b1, W2, b2)

# --- scband reference (transcript-rebuilt; emitter-appended) ---
"""Pipeline reference for scband-ball-conv-7146825580910 (READ-ONLY COPY).

The authoritative reference and input builder live on the scoring server;
editing this copy changes nothing except your own understanding.
"""

import jax, jax.numpy as jnp
import numpy as np

N = 20000
E = 100000
IN_CH = 32
OUT_CH = 32
DIMS = 2
HID = 6
RADIUS = 0.2


def setup_inputs(seed: int = 0) -> dict:
    key = jax.random.key(seed)
    ks = jax.random.split(key, 8)
    x = jax.random.normal(ks[0], (N, IN_CH), dtype=jnp.float32)
    coords = jax.random.uniform(ks[1], (N, DIMS), dtype=jnp.float32)
    edge_index = jax.random.randint(ks[2], (2, E), 0, N, dtype=jnp.int32)
    # MLP kernel parameterization: Linear(DIMS,6) -> ReLU -> Linear(6, IN_CH*OUT_CH) -> Reshape(IN_CH, OUT_CH)
    W1 = jax.random.normal(ks[3], (DIMS, HID), dtype=jnp.float32) * (1.0 / np.sqrt(DIMS))
    b1 = jnp.zeros((HID,), dtype=jnp.float32)
    W2 = jax.random.normal(ks[4], (HID, IN_CH * OUT_CH), dtype=jnp.float32) * (1.0 / np.sqrt(HID))
    b2 = jnp.zeros((IN_CH * OUT_CH,), dtype=jnp.float32)
    return {"x": x, "coords": coords, "edge_index": edge_index,
            "W1": W1, "b1": b1, "W2": W2, "b2": b2}


def reference(x, coords, edge_index, W1, b1, W2, b2):
    src = edge_index[0]
    dst = edge_index[1]
    # coordinate offsets between query (dst) and support (src) points
    diffs = coords[dst] - coords[src]
    # ball support under p=inf norm (padding_mode='cutoff')
    in_support = (jnp.max(jnp.abs(diffs), axis=-1) < RADIUS).astype(x.dtype)
    # MLP kernel: weight(diff) -> [E, IN_CH, OUT_CH]
    h = jax.nn.relu(diffs @ W1 + b1)
    w = (h @ W2 + b2).reshape(-1, IN_CH, OUT_CH)
    # per-edge message: x[src] applied through the generated kernel
    msg = jnp.einsum('ei,eio->eo', x[src], w)
    msg = msg * in_support[:, None]
    # scatter-add to query nodes, then Monte-Carlo average over in-support neighbors
    out = jnp.zeros((x.shape[0], OUT_CH), dtype=x.dtype).at[dst].add(msg)
    cnt = jnp.zeros((x.shape[0],), dtype=x.dtype).at[dst].add(in_support)
    out = out / jnp.maximum(cnt, 1.0)[:, None]
    return out

if __name__ == "__main__":
    import jax
    _d = setup_inputs()
    print(jax.jit(kernel)(*tuple(_d.values())))

</pallas_src>

<mosaic_0001>
#map = affine_map<(d0, d1) -> (0, 0)>
#map1 = affine_map<(d0, d1) -> (0, 0, 0)>
module attributes {stable_mosaic.version = 14 : i64} {
  func.func @_sc_body(%arg0: i32, %arg1: i32, %arg2: memref<20480x240xf32, #tpu.memory_space<hbm>>, %arg3: memref<20480x16xf32, #tpu.memory_space<hbm>>, %arg4: memref<32x25x128xi32, #tpu.memory_space<hbm>>, %arg5: memref<32x25x128xi32, #tpu.memory_space<hbm>>, %arg6: memref<8x16xf32, #tpu.memory_space<hbm>>, %arg7: memref<2x20480x48xf32, #tpu.memory_space<hbm>>, %arg8: memref<128x16xf32, #tpu.memory_space<vmem>>, %arg9: memref<128x240xf32, #tpu.memory_space<vmem>>, %arg10: memref<128x48xf32, #tpu.memory_space<vmem>>, %arg11: memref<25x128xi32, #tpu.memory_space<vmem>>, %arg12: memref<25x128xi32, #tpu.memory_space<vmem>>, %arg13: memref<8x16xf32, #tpu.memory_space<vmem>>, %arg14: memref<20480x48xf32, #tpu.memory_space<vmem_shared>>, %arg15: memref<!tpu.dma_semaphore, #tpu.memory_space<semaphore_mem>>, %arg16: memref<!tpu.dma_semaphore, #tpu.memory_space<semaphore_mem>>) attributes {dimension_semantics = [#tpu.dimension_semantics<core_parallel>, #tpu.dimension_semantics<subcore_parallel>], iteration_bounds = array<i64: 2, 16>, scalar_prefetch = 0 : i64, scratch_operands = 9 : i64, tpu.core_type = #tpu.core_type<sc_vector_subcore>, window_params = [{transform_indices = #map}, {transform_indices = #map}, {transform_indices = #map1}, {transform_indices = #map1}, {transform_indices = #map}, {transform_indices = #map1}]} {
    %mul3A = arith.constant 16 : i32
    %mul3A_0 = arith.muli %arg0, %mul3A : i32
    %add3A = arith.addi %mul3A_0, %arg1 : i32
    %broadcast_in_dim3A = arith.constant 0.000000e+00 : f32
    %broadcast_in_dim3A_1 = vector.broadcast %broadcast_in_dim3A : f32 to vector<16xf32>
    %scan3A = arith.constant 0 : i32
    %scan3A_2 = arith.constant 0 : i32
    %scan3A_3 = arith.constant 128 : i32
    %scan3A_4 = arith.addi %scan3A_2, %scan3A_3 : i32
    %scan3A_5 = arith.constant 1 : i32
    %scan3A_6 = scf.for %scan3A_49 = %scan3A_2 to %scan3A_4 step %scan3A_5 iter_args(%scan3A_50 = %scan3A) -> (i32)  : i32 {
      %swap3A = arith.index_cast %scan3A_49 : i32 to index
      %swap3A_51 = arith.constant 0 : index
      %swap3A_52 = tpu.vector_load %arg10[%swap3A, %swap3A_51] {strides = array<i32>} : memref<128x48xf32, #tpu.memory_space<vmem>>, vector<1x16xf32>,
      %swap3A_53 = vector.shape_cast %swap3A_52 : vector<1x16xf32> to vector<16xf32>
      %swap3A_54 = vector.shape_cast %broadcast_in_dim3A_1 : vector<16xf32> to vector<1x16xf32>
      tpu.vector_store %arg10[%swap3A, %swap3A_51], %swap3A_54 {strides = array<i32>} : memref<128x48xf32, #tpu.memory_space<vmem>>, vector<1x16xf32>,
      %swap3A_55 = arith.index_cast %scan3A_49 : i32 to index
      %swap3A_56 = arith.constant 16 : index
      %swap3A_57 = tpu.vector_load %arg10[%swap3A_55, %swap3A_56] {strides = array<i32>} : memref<128x48xf32, #tpu.memory_space<vmem>>, vector<1x16xf32>,
      %swap3A_58 = vector.shape_cast %swap3A_57 : vector<1x16xf32> to vector<16xf32>
      %swap3A_59 = vector.shape_cast %broadcast_in_dim3A_1 : vector<16xf32> to vector<1x16xf32>
      tpu.vector_store %arg10[%swap3A_55, %swap3A_56], %swap3A_59 {strides = array<i32>} : memref<128x48xf32, #tpu.memory_space<vmem>>, vector<1x16xf32>,
      %swap3A_60 = arith.index_cast %scan3A_49 : i32 to index
      %swap3A_61 = arith.constant 32 : index
      %swap3A_62 = tpu.vector_load %arg10[%swap3A_60, %swap3A_61] {strides = array<i32>} : memref<128x48xf32, #tpu.memory_space<vmem>>, vector<1x16xf32>,
      %swap3A_63 = vector.shape_cast %swap3A_62 : vector<1x16xf32> to vector<16xf32>
      %swap3A_64 = vector.shape_cast %broadcast_in_dim3A_1 : vector<16xf32> to vector<1x16xf32>
      tpu.vector_store %arg10[%swap3A_60, %swap3A_61], %swap3A_64 {strides = array<i32>} : memref<128x48xf32, #tpu.memory_space<vmem>>, vector<1x16xf32>,
      %scan3A_65 = arith.constant 0 : i32
      scf.yield %scan3A_65 : i32
    }
    %scan3A_7 = arith.constant 128 : i32
    %mul3A_8 = arith.constant 1280 : i32
    %mul3A_9 = arith.muli %arg1, %mul3A_8 : i32
    %scan3A_10 = arith.constant 0 : i32
    %scan3A_11 = arith.constant 0 : i32
    %scan3A_12 = arith.constant 10 : i32
    %scan3A_13 = arith.addi %scan3A_11, %scan3A_12 : i32
    %scan3A_14 = arith.constant 1 : i32
    %scan3A_15 = scf.for %scan3A_49 = %scan3A_11 to %scan3A_13 step %scan3A_14 iter_args(%scan3A_50 = %scan3A_10) -> (i32)  : i32 {
      %mul3A_51 = arith.constant 128 : i32
      %mul3A_52 = arith.muli %scan3A_49, %mul3A_51 : i32
      %add3A_53 = arith.addi %mul3A_9, %mul3A_52 : i32
      "tpu.region"() ({
        %run_scoped3A = tpu.sem_alloc : memref<!tpu.dma_semaphore, #tpu.memory_space<semaphore_mem>>
        %dma_start3A = arith.constant 0 : i32
        %dma_start3A_55 = tpu.memref_slice %arg14[%add3A_53, %dma_start3A] : memref<20480x48xf32, #tpu.memory_space<vmem_shared>> -> memref<128x48xf32, #tpu.memory_space<vmem_shared>>
        %dma_start3A_56 = arith.constant 0 : i32
        %dma_start3A_57 = tpu.memref_slice %arg14[%add3A_53, %dma_start3A_56] : memref<20480x48xf32, #tpu.memory_space<vmem_shared>> -> memref<128x48xf32, #tpu.memory_space<vmem_shared>>
        tpu.enqueue_dma source(%arg10 : memref<128x48xf32, #tpu.memory_space<vmem>>) target(%dma_start3A_57 : memref<128x48xf32, #tpu.memory_space<vmem_shared>>) target_semaphore(%run_scoped3A : memref<!tpu.dma_semaphore, #tpu.memory_space<semaphore_mem>>)
        %dma_wait3A = arith.constant 0 : i32
        %dma_wait3A_58 = tpu.memref_slice %arg14[%add3A_53, %dma_wait3A] : memref<20480x48xf32, #tpu.memory_space<vmem_shared>> -> memref<128x48xf32, #tpu.memory_space<vmem_shared>>
        %dma_wait3A_59 = arith.constant 0 : i32
        %dma_wait3A_60 = tpu.memref_slice %arg14[%add3A_53, %dma_wait3A_59] : memref<20480x48xf32, #tpu.memory_space<vmem_shared>> -> memref<128x48xf32, #tpu.memory_space<vmem_shared>>
        tpu.wait_dma2 semaphore(%run_scoped3A : memref<!tpu.dma_semaphore, #tpu.memory_space<semaphore_mem>>) src(%arg10 : memref<128x48xf32, #tpu.memory_space<vmem>>) dst(%dma_wait3A_60 : memref<128x48xf32, #tpu.memory_space<vmem_shared>>)
        tpu.yield
      }) : () -> ()
      %scan3A_54 = arith.constant 0 : i32
      scf.yield %scan3A_54 : i32
    }
    %scan3A_16 = arith.constant 10 : i32
    "tpu.region"() ({
      %run_scoped3A = tpu.sem_alloc : memref<!tpu.dma_semaphore, #tpu.memory_space<semaphore_mem>>
      tpu.enqueue_dma source(%arg6 : memref<8x16xf32, #tpu.memory_space<hbm>>) target(%arg13 : memref<8x16xf32, #tpu.memory_space<vmem>>) target_semaphore(%run_scoped3A : memref<!tpu.dma_semaphore, #tpu.memory_space<semaphore_mem>>)
      tpu.wait_dma2 semaphore(%run_scoped3A : memref<!tpu.dma_semaphore, #tpu.memory_space<semaphore_mem>>) src(%arg6 : memref<8x16xf32, #tpu.memory_space<hbm>>) dst(%arg13 : memref<8x16xf32, #tpu.memory_space<vmem>>)
      tpu.yield
    }) : () -> ()
    "tpu.region"() ({
      %run_scoped3A = tpu.sem_alloc : memref<!tpu.dma_semaphore, #tpu.memory_space<semaphore_mem>>
      %dma_start3A = arith.constant 0 : i32
      %dma_start3A_49 = arith.constant 0 : i32
      %dma_start3A_50 = tpu.memref_slice %arg4[%add3A, %dma_start3A, %dma_start3A_49] : memref<32x25x128xi32, #tpu.memory_space<hbm>> -> memref<1x25x128xi32, #tpu.memory_space<hbm>>
      %dma_start3A_51 = tpu.memref_squeeze %dma_start3A_50 : memref<1x25x128xi32, #tpu.memory_space<hbm>> -> memref<25x128xi32, #tpu.memory_space<hbm>>
      %dma_start3A_52 = arith.constant 0 : i32
      %dma_start3A_53 = arith.constant 0 : i32
      %dma_start3A_54 = tpu.memref_slice %arg4[%add3A, %dma_start3A_52, %dma_start3A_53] : memref<32x25x128xi32, #tpu.memory_space<hbm>> -> memref<1x25x128xi32, #tpu.memory_space<hbm>>
      %dma_start3A_55 = tpu.memref_squeeze %dma_start3A_54 : memref<1x25x128xi32, #tpu.memory_space<hbm>> -> memref<25x128xi32, #tpu.memory_space<hbm>>
      tpu.enqueue_dma source(%dma_start3A_55 : memref<25x128xi32, #tpu.memory_space<hbm>>) target(%arg11 : memref<25x128xi32, #tpu.memory_space<vmem>>) target_semaphore(%run_scoped3A : memref<!tpu.dma_semaphore, #tpu.memory_space<semaphore_mem>>)
      %dma_wait3A = arith.constant 0 : i32
      %dma_wait3A_56 = arith.constant 0 : i32
      %dma_wait3A_57 = tpu.memref_slice %arg4[%add3A, %dma_wait3A, %dma_wait3A_56] : memref<32x25x128xi32, #tpu.memory_space<hbm>> -> memref<1x25x128xi32, #tpu.memory_space<hbm>>
      %dma_wait3A_58 = tpu.memref_squeeze %dma_wait3A_57 : memref<1x25x128xi32, #tpu.memory_space<hbm>> -> memref<25x128xi32, #tpu.memory_space<hbm>>
      %dma_wait3A_59 = arith.constant 0 : i32
      %dma_wait3A_60 = arith.constant 0 : i32
      %dma_wait3A_61 = tpu.memref_slice %arg4[%add3A, %dma_wait3A_59, %dma_wait3A_60] : memref<32x25x128xi32, #tpu.memory_space<hbm>> -> memref<1x25x128xi32, #tpu.memory_space<hbm>>
      %dma_wait3A_62 = tpu.memref_squeeze %dma_wait3A_61 : memref<1x25x128xi32, #tpu.memory_space<hbm>> -> memref<25x128xi32, #tpu.memory_space<hbm>>
      tpu.wait_dma2 semaphore(%run_scoped3A : memref<!tpu.dma_semaphore, #tpu.memory_space<semaphore_mem>>) src(%dma_wait3A_62 : memref<25x128xi32, #tpu.memory_space<hbm>>) dst(%arg11 : memref<25x128xi32, #tpu.memory_space<vmem>>)
      tpu.yield
    }) : () -> ()
    "tpu.region"() ({
      %run_scoped3A = tpu.sem_alloc : memref<!tpu.dma_semaphore, #tpu.memory_space<semaphore_mem>>
      %dma_start3A = arith.constant 0 : i32
      %dma_start3A_49 = arith.constant 0 : i32
      %dma_start3A_50 = tpu.memref_slice %arg5[%add3A, %dma_start3A, %dma_start3A_49] : memref<32x25x128xi32, #tpu.memory_space<hbm>> -> memref<1x25x128xi32, #tpu.memory_space<hbm>>
      %dma_start3A_51 = tpu.memref_squeeze %dma_start3A_50 : memref<1x25x128xi32, #tpu.memory_space<hbm>> -> memref<25x128xi32, #tpu.memory_space<hbm>>
      %dma_start3A_52 = arith.constant 0 : i32
      %dma_start3A_53 = arith.constant 0 : i32
      %dma_start3A_54 = tpu.memref_slice %arg5[%add3A, %dma_start3A_52, %dma_start3A_53] : memref<32x25x128xi32, #tpu.memory_space<hbm>> -> memref<1x25x128xi32, #tpu.memory_space<hbm>>
      %dma_start3A_55 = tpu.memref_squeeze %dma_start3A_54 : memref<1x25x128xi32, #tpu.memory_space<hbm>> -> memref<25x128xi32, #tpu.memory_space<hbm>>
      tpu.enqueue_dma source(%dma_start3A_55 : memref<25x128xi32, #tpu.memory_space<hbm>>) target(%arg12 : memref<25x128xi32, #tpu.memory_space<vmem>>) target_semaphore(%run_scoped3A : memref<!tpu.dma_semaphore, #tpu.memory_space<semaphore_mem>>)
      %dma_wait3A = arith.constant 0 : i32
      %dma_wait3A_56 = arith.constant 0 : i32
      %dma_wait3A_57 = tpu.memref_slice %arg5[%add3A, %dma_wait3A, %dma_wait3A_56] : memref<32x25x128xi32, #tpu.memory_space<hbm>> -> memref<1x25x128xi32, #tpu.memory_space<hbm>>
      %dma_wait3A_58 = tpu.memref_squeeze %dma_wait3A_57 : memref<1x25x128xi32, #tpu.memory_space<hbm>> -> memref<25x128xi32, #tpu.memory_space<hbm>>
      %dma_wait3A_59 = arith.constant 0 : i32
      %dma_wait3A_60 = arith.constant 0 : i32
      %dma_wait3A_61 = tpu.memref_slice %arg5[%add3A, %dma_wait3A_59, %dma_wait3A_60] : memref<32x25x128xi32, #tpu.memory_space<hbm>> -> memref<1x25x128xi32, #tpu.memory_space<hbm>>
      %dma_wait3A_62 = tpu.memref_squeeze %dma_wait3A_61 : memref<1x25x128xi32, #tpu.memory_space<hbm>> -> memref<25x128xi32, #tpu.memory_space<hbm>>
      tpu.wait_dma2 semaphore(%run_scoped3A : memref<!tpu.dma_semaphore, #tpu.memory_space<semaphore_mem>>) src(%dma_wait3A_62 : memref<25x128xi32, #tpu.memory_space<hbm>>) dst(%arg12 : memref<25x128xi32, #tpu.memory_space<vmem>>)
      tpu.yield
    }) : () -> ()
    %get3A = arith.constant 0 : i32
    %get3A_17 = arith.index_cast %get3A : i32 to index
    %get3A_18 = arith.constant 0 : index
    %get3A_19 = tpu.vector_load %arg13[%get3A_17, %get3A_18] {strides = array<i32>} : memref<8x16xf32, #tpu.memory_space<vmem>>, vector<1x16xf32>,
    %get3A_20 = vector.shape_cast %get3A_19 : vector<1x16xf32> to vector<16xf32>
    %get3A_21 = arith.constant 1 : i32
    %get3A_22 = arith.index_cast %get3A_21 : i32 to index
    %get3A_23 = arith.constant 0 : index
    %get3A_24 = tpu.vector_load %arg13[%get3A_22, %get3A_23] {strides = array<i32>} : memref<8x16xf32, #tpu.memory_space<vmem>>, vector<1x16xf32>,
    %get3A_25 = vector.shape_cast %get3A_24 : vector<1x16xf32> to vector<16xf32>
    %get3A_26 = arith.constant 2 : i32
    %get3A_27 = arith.index_cast %get3A_26 : i32 to index
    %get3A_28 = arith.constant 0 : index
    %get3A_29 = tpu.vector_load %arg13[%get3A_27, %get3A_28] {strides = array<i32>} : memref<8x16xf32, #tpu.memory_space<vmem>>, vector<1x16xf32>,
    %get3A_30 = vector.shape_cast %get3A_29 : vector<1x16xf32> to vector<16xf32>
    %get3A_31 = arith.constant 3 : i32
    %get3A_32 = arith.index_cast %get3A_31 : i32 to index
    %get3A_33 = arith.constant 0 : index
    %get3A_34 = tpu.vector_load %arg13[%get3A_32, %get3A_33] {strides = array<i32>} : memref<8x16xf32, #tpu.memory_space<vmem>>, vector<1x16xf32>,
    %get3A_35 = vector.shape_cast %get3A_34 : vector<1x16xf32> to vector<16xf32>
    %get3A_36 = arith.constant 4 : i32
    %get3A_37 = arith.index_cast %get3A_36 : i32 to index
    %get3A_38 = arith.constant 0 : index
    %get3A_39 = tpu.vector_load %arg13[%get3A_37, %get3A_38] {strides = array<i32>} : memref<8x16xf32, #tpu.memory_space<vmem>>, vector<1x16xf32>,
    %get3A_40 = vector.shape_cast %get3A_39 : vector<1x16xf32> to vector<16xf32>
    %barrier3A = arith.constant 0 : index
    tpu.barrier barrier_id(%barrier3A)
    %scan3A_41 = arith.constant 0 : i32
    %scan3A_42 = arith.constant 0 : i32
    %scan3A_43 = arith.constant 25 : i32
    %scan3A_44 = arith.addi %scan3A_42, %scan3A_43 : i32
    %scan3A_45 = arith.constant 1 : i32
    %scan3A_46 = scf.for %scan3A_49 = %scan3A_42 to %scan3A_44 step %scan3A_45 iter_args(%scan3A_50 = %scan3A_41) -> (i32)  : i32 {
      %dma_start3A = arith.constant 0 : i32
      %dma_start3A_51 = tpu.memref_slice %arg12[%scan3A_49, %dma_start3A] : memref<25x128xi32, #tpu.memory_space<vmem>> -> memref<1x128xi32, #tpu.memory_space<vmem>>
      %dma_start3A_52 = tpu.memref_squeeze %dma_start3A_51 : memref<1x128xi32, #tpu.memory_space<vmem>> -> memref<128xi32, #tpu.memory_space<vmem>>
      %dma_start3A_53 = arith.constant 0 : i32
      %dma_start3A_54 = arith.constant 0 : i32
      %dma_start3A_55 = tpu.memref_slice %arg3[%dma_start3A_53, %dma_start3A_54] : memref<20480x16xf32, #tpu.memory_space<hbm>> -> memref<20480x16xf32, #tpu.memory_space<hbm>>
      tpu.enqueue_indirect_dma source(%dma_start3A_55 : memref<20480x16xf32, #tpu.memory_space<hbm>>) target(%arg8 : memref<128x16xf32, #tpu.memory_space<vmem>>) offsets(%dma_start3A_52 : memref<128xi32, #tpu.memory_space<vmem>>) semaphore(%arg15 : memref<!tpu.dma_semaphore, #tpu.memory_space<semaphore_mem>>)
      %dma_start3A_56 = arith.constant 0 : i32
      %dma_start3A_57 = tpu.memref_slice %arg11[%scan3A_49, %dma_start3A_56] : memref<25x128xi32, #tpu.memory_space<vmem>> -> memref<1x128xi32, #tpu.memory_space<vmem>>
      %dma_start3A_58 = tpu.memref_squeeze %dma_start3A_57 : memref<1x128xi32, #tpu.memory_space<vmem>> -> memref<128xi32, #tpu.memory_space<vmem>>
      %dma_start3A_59 = arith.constant 0 : i32
      %dma_start3A_60 = arith.constant 0 : i32
      %dma_start3A_61 = tpu.memref_slice %arg2[%dma_start3A_59, %dma_start3A_60] : memref<20480x240xf32, #tpu.memory_space<hbm>> -> memref<20480x240xf32, #tpu.memory_space<hbm>>
      tpu.enqueue_indirect_dma source(%dma_start3A_61 : memref<20480x240xf32, #tpu.memory_space<hbm>>) target(%arg9 : memref<128x240xf32, #tpu.memory_space<vmem>>) offsets(%dma_start3A_58 : memref<128xi32, #tpu.memory_space<vmem>>) semaphore(%arg16 : memref<!tpu.dma_semaphore, #tpu.memory_space<semaphore_mem>>)
      %dma_wait3A = arith.constant 0 : i32
      %dma_wait3A_62 = tpu.memref_slice %arg12[%scan3A_49, %dma_wait3A] : memref<25x128xi32, #tpu.memory_space<vmem>> -> memref<1x128xi32, #tpu.memory_space<vmem>>
      %dma_wait3A_63 = tpu.memref_squeeze %dma_wait3A_62 : memref<1x128xi32, #tpu.memory_space<vmem>> -> memref<128xi32, #tpu.memory_space<vmem>>
      %dma_wait3A_64 = arith.constant 0 : i32
      %dma_wait3A_65 = arith.constant 0 : i32
      %dma_wait3A_66 = tpu.memref_slice %arg3[%dma_wait3A_64, %dma_wait3A_65] : memref<20480x16xf32, #tpu.memory_space<hbm>> -> memref<20480x16xf32, #tpu.memory_space<hbm>>
      tpu.wait_indirect_dma semaphore(%arg15 : memref<!tpu.dma_semaphore, #tpu.memory_space<semaphore_mem>>) src(%dma_wait3A_66 : memref<20480x16xf32, #tpu.memory_space<hbm>>) dst(%arg8 : memref<128x16xf32, #tpu.memory_space<vmem>>)
      %dma_wait3A_67 = arith.constant 0 : i32
      %dma_wait3A_68 = tpu.memref_slice %arg11[%scan3A_49, %dma_wait3A_67] : memref<25x128xi32, #tpu.memory_space<vmem>> -> memref<1x128xi32, #tpu.memory_space<vmem>>
      %dma_wait3A_69 = tpu.memref_squeeze %dma_wait3A_68 : memref<1x128xi32, #tpu.memory_space<vmem>> -> memref<128xi32, #tpu.memory_space<vmem>>
      %dma_wait3A_70 = arith.constant 0 : i32
      %dma_wait3A_71 = arith.constant 0 : i32
      %dma_wait3A_72 = tpu.memref_slice %arg2[%dma_wait3A_70, %dma_wait3A_71] : memref<20480x240xf32, #tpu.memory_space<hbm>> -> memref<20480x240xf32, #tpu.memory_space<hbm>>
      tpu.wait_indirect_dma semaphore(%arg16 : memref<!tpu.dma_semaphore, #tpu.memory_space<semaphore_mem>>) src(%dma_wait3A_72 : memref<20480x240xf32, #tpu.memory_space<hbm>>) dst(%arg9 : memref<128x240xf32, #tpu.memory_space<vmem>>)
      %scan3A_73 = arith.constant 0 : i32
      %scan3A_74 = arith.constant 0 : i32
      %scan3A_75 = arith.constant 128 : i32
      %scan3A_76 = arith.addi %scan3A_74, %scan3A_75 : i32
      %scan3A_77 = arith.constant 4 : i32
      scf.for %scan3A_80 = %scan3A_74 to %scan3A_76 step %scan3A_77  : i32 {
        %get3A_81 = arith.index_cast %scan3A_80 : i32 to index
        %get3A_82 = arith.constant 0 : index
        %get3A_83 = tpu.vector_load %arg8[%get3A_81, %get3A_82] {strides = array<i32>} : memref<128x16xf32, #tpu.memory_space<vmem>>, vector<1x16xf32>,
        %get3A_84 = vector.shape_cast %get3A_83 : vector<1x16xf32> to vector<16xf32>
        %get3A_85 = arith.index_cast %scan3A_80 : i32 to index
        %get3A_86 = arith.constant 224 : index
        %get3A_87 = tpu.vector_load %arg9[%get3A_85, %get3A_86] {strides = array<i32>} : memref<128x240xf32, #tpu.memory_space<vmem>>, vector<1x16xf32>,
        %get3A_88 = vector.shape_cast %get3A_87 : vector<1x16xf32> to vector<16xf32>
        %sub3A = arith.subf %get3A_84, %get3A_88 : vector<16xf32>
        %abs3A = math.absf %sub3A : vector<16xf32>
        %slice3A = vector.extract_strided_slice %abs3A {offsets = [0], sizes = [1], strides = [1]} : vector<16xf32> to vector<1xf32>
        %squeeze3A = vector.extract %slice3A[0] : f32 from vector<1xf32>
        %broadcast_in_dim3A_89 = vector.broadcast %squeeze3A : f32 to vector<16xf32>
        %slice3A_90 = vector.extract_strided_slice %abs3A {offsets = [1], sizes = [1], strides = [1]} : vector<16xf32> to vector<1xf32>
        %squeeze3A_91 = vector.extract %slice3A_90[0] : f32 from vector<1xf32>
        %broadcast_in_dim3A_92 = vector.broadcast %squeeze3A_91 : f32 to vector<16xf32>
        %max3A = arith.maximumf %broadcast_in_dim3A_89, %broadcast_in_dim3A_92 : vector<16xf32>
        %lt3A = arith.constant 2.000000e-01 : f32
        %lt3A_93 = vector.broadcast %lt3A : f32 to vector<16xf32>
        %lt3A_94 = arith.cmpf olt, %max3A, %lt3A_93 : vector<16xf32>
        %jit3A = arith.constant 1.000000e+00 : f32
        %jit3A_95 = arith.constant 0.000000e+00 : f32
        %broadcast_in_dim3A_96 = vector.broadcast %jit3A : f32 to vector<16xf32>
        %broadcast_in_dim3A_97 = vector.broadcast %jit3A_95 : f32 to vector<16xf32>
        %select_n3A = arith.select %lt3A_94, %broadcast_in_dim3A_96, %broadcast_in_dim3A_97 : vector<16xi1>, vector<16xf32>
        %slice3A_98 = vector.extract_strided_slice %sub3A {offsets = [0], sizes = [1], strides = [1]} : vector<16xf32> to vector<1xf32>
        %squeeze3A_99 = vector.extract %slice3A_98[0] : f32 from vector<1xf32>
        %mul3A_100 = vector.broadcast %squeeze3A_99 : f32 to vector<16xf32>
        %mul3A_101 = arith.mulf %get3A_20, %mul3A_100 : vector<16xf32>
        %slice3A_102 = vector.extract_strided_slice %sub3A {offsets = [1], sizes = [1], strides = [1]} : vector<16xf32> to vector<1xf32>
        %squeeze3A_103 = vector.extract %slice3A_102[0] : f32 from vector<1xf32>
        %mul3A_104 = vector.broadcast %squeeze3A_103 : f32 to vector<16xf32>
        %mul3A_105 = arith.mulf %get3A_25, %mul3A_104 : vector<16xf32>
        %add3A_106 = arith.addf %mul3A_101, %mul3A_105 : vector<16xf32>
        %add3A_107 = arith.addf %add3A_106, %get3A_30 : vector<16xf32>
        %max3A_108 = arith.constant 0.000000e+00 : f32
        %max3A_109 = vector.broadcast %max3A_108 : f32 to vector<16xf32>
        %max3A_110 = arith.maximumf %add3A_107, %max3A_109 : vector<16xf32>
        %add3A_111 = arith.addf %max3A_110, %get3A_35 : vector<16xf32>
        %mul3A_112 = arith.mulf %add3A_111, %select_n3A : vector<16xf32>
        %slice3A_113 = vector.extract_strided_slice %mul3A_112 {offsets = [6], sizes = [1], strides = [1]} : vector<16xf32> to vector<1xf32>
        %squeeze3A_114 = vector.extract %slice3A_113[0] : f32 from vector<1xf32>
        %get3A_115 = arith.index_cast %scan3A_80 : i32 to index
        %get3A_116 = arith.constant 192 : index
        %get3A_117 = tpu.vector_load %arg9[%get3A_115, %get3A_116] {strides = array<i32>} : memref<128x240xf32, #tpu.memory_space<vmem>>, vector<1x16xf32>,
        %get3A_118 = vector.shape_cast %get3A_117 : vector<1x16xf32> to vector<16xf32>
        %mul3A_119 = vector.broadcast %squeeze3A_114 : f32 to vector<16xf32>
        %mul3A_120 = arith.mulf %get3A_118, %mul3A_119 : vector<16xf32>
        %get3A_121 = arith.index_cast %scan3A_80 : i32 to index
        %get3A_122 = arith.constant 208 : index
        %get3A_123 = tpu.vector_load %arg9[%get3A_121, %get3A_122] {strides = array<i32>} : memref<128x240xf32, #tpu.memory_space<vmem>>, vector<1x16xf32>,
        %get3A_124 = vector.shape_cast %get3A_123 : vector<1x16xf32> to vector<16xf32>
        %mul3A_125 = vector.broadcast %squeeze3A_114 : f32 to vector<16xf32>
        %mul3A_126 = arith.mulf %get3A_124, %mul3A_125 : vector<16xf32>
        %slice3A_127 = vector.extract_strided_slice %mul3A_112 {offsets = [0], sizes = [1], strides = [1]} : vector<16xf32> to vector<1xf32>
        %squeeze3A_128 = vector.extract %slice3A_127[0] : f32 from vector<1xf32>
        %get3A_129 = arith.index_cast %scan3A_80 : i32 to index
        %get3A_130 = arith.constant 0 : index
        %get3A_131 = tpu.vector_load %arg9[%get3A_129, %get3A_130] {strides = array<i32>} : memref<128x240xf32, #tpu.memory_space<vmem>>, vector<1x16xf32>,
        %get3A_132 = vector.shape_cast %get3A_131 : vector<1x16xf32> to vector<16xf32>
        %mul3A_133 = vector.broadcast %squeeze3A_128 : f32 to vector<16xf32>
        %mul3A_134 = arith.mulf %get3A_132, %mul3A_133 : vector<16xf32>
        %add3A_135 = arith.addf %mul3A_120, %mul3A_134 : vector<16xf32>
        %get3A_136 = arith.index_cast %scan3A_80 : i32 to index
        %get3A_137 = arith.constant 16 : index
        %get3A_138 = tpu.vector_load %arg9[%get3A_136, %get3A_137] {strides = array<i32>} : memref<128x240xf32, #tpu.memory_space<vmem>>, vector<1x16xf32>,
        %get3A_139 = vector.shape_cast %get3A_138 : vector<1x16xf32> to vector<16xf32>
        %mul3A_140 = vector.broadcast %squeeze3A_128 : f32 to vector<16xf32>
        %mul3A_141 = arith.mulf %get3A_139, %mul3A_140 : vector<16xf32>
        %add3A_142 = arith.addf %mul3A_126, %mul3A_141 : vector<16xf32>
        %slice3A_143 = vector.extract_strided_slice %mul3A_112 {offsets = [1], sizes = [1], strides = [1]} : vector<16xf32> to vector<1xf32>
        %squeeze3A_144 = vector.extract %slice3A_143[0] : f32 from vector<1xf32>
        %get3A_145 = arith.index_cast %scan3A_80 : i32 to index
        %get3A_146 = arith.constant 32 : index
        %get3A_147 = tpu.vector_load %arg9[%get3A_145, %get3A_146] {strides = array<i32>} : memref<128x240xf32, #tpu.memory_space<vmem>>, vector<1x16xf32>,
        %get3A_148 = vector.shape_cast %get3A_147 : vector<1x16xf32> to vector<16xf32>
        %mul3A_149 = vector.broadcast %squeeze3A_144 : f32 to vector<16xf32>
        %mul3A_150 = arith.mulf %get3A_148, %mul3A_149 : vector<16xf32>
        %add3A_151 = arith.addf %add3A_135, %mul3A_150 : vector<16xf32>
        %get3A_152 = arith.index_cast %scan3A_80 : i32 to index
        %get3A_153 = arith.constant 48 : index
        %get3A_154 = tpu.vector_load %arg9[%get3A_152, %get3A_153] {strides = array<i32>} : memref<128x240xf32, #tpu.memory_space<vmem>>, vector<1x16xf32>,
        %get3A_155 = vector.shape_cast %get3A_154 : vector<1x16xf32> to vector<16xf32>
        %mul3A_156 = vector.broadcast %squeeze3A_144 : f32 to vector<16xf32>
        %mul3A_157 = arith.mulf %get3A_155, %mul3A_156 : vector<16xf32>
        %add3A_158 = arith.addf %add3A_142, %mul3A_157 : vector<16xf32>
        %slice3A_159 = vector.extract_strided_slice %mul3A_112 {offsets = [2], sizes = [1], strides = [1]} : vector<16xf32> to vector<1xf32>
        %squeeze3A_160 = vector.extract %slice3A_159[0] : f32 from vector<1xf32>
        %get3A_161 = arith.index_cast %scan3A_80 : i32 to index
        %get3A_162 = arith.constant 64 : index
        %get3A_163 = tpu.vector_load %arg9[%get3A_161, %get3A_162] {strides = array<i32>} : memref<128x240xf32, #tpu.memory_space<vmem>>, vector<1x16xf32>,
        %get3A_164 = vector.shape_cast %get3A_163 : vector<1x16xf32> to vector<16xf32>
        %mul3A_165 = vector.broadcast %squeeze3A_160 : f32 to vector<16xf32>
        %mul3A_166 = arith.mulf %get3A_164, %mul3A_165 : vector<16xf32>
        %add3A_167 = arith.addf %add3A_151, %mul3A_166 : vector<16xf32>
        %get3A_168 = arith.index_cast %scan3A_80 : i32 to index
        %get3A_169 = arith.constant 80 : index
        %get3A_170 = tpu.vector_load %arg9[%get3A_168, %get3A_169] {strides = array<i32>} : memref<128x240xf32, #tpu.memory_space<vmem>>, vector<1x16xf32>,
        %get3A_171 = vector.shape_cast %get3A_170 : vector<1x16xf32> to vector<16xf32>
        %mul3A_172 = vector.broadcast %squeeze3A_160 : f32 to vector<16xf32>
        %mul3A_173 = arith.mulf %get3A_171, %mul3A_172 : vector<16xf32>
        %add3A_174 = arith.addf %add3A_158, %mul3A_173 : vector<16xf32>
        %slice3A_175 = vector.extract_strided_slice %mul3A_112 {offsets = [3], sizes = [1], strides = [1]} : vector<16xf32> to vector<1xf32>
        %squeeze3A_176 = vector.extract %slice3A_175[0] : f32 from vector<1xf32>
        %get3A_177 = arith.index_cast %scan3A_80 : i32 to index
        %get3A_178 = arith.constant 96 : index
        %get3A_179 = tpu.vector_load %arg9[%get3A_177, %get3A_178] {strides = array<i32>} : memref<128x240xf32, #tpu.memory_space<vmem>>, vector<1x16xf32>,
        %get3A_180 = vector.shape_cast %get3A_179 : vector<1x16xf32> to vector<16xf32>
        %mul3A_181 = vector.broadcast %squeeze3A_176 : f32 to vector<16xf32>
        %mul3A_182 = arith.mulf %get3A_180, %mul3A_181 : vector<16xf32>
        %add3A_183 = arith.addf %add3A_167, %mul3A_182 : vector<16xf32>
        %get3A_184 = arith.index_cast %scan3A_80 : i32 to index
        %get3A_185 = arith.constant 112 : index
        %get3A_186 = tpu.vector_load %arg9[%get3A_184, %get3A_185] {strides = array<i32>} : memref<128x240xf32, #tpu.memory_space<vmem>>, vector<1x16xf32>,
        %get3A_187 = vector.shape_cast %get3A_186 : vector<1x16xf32> to vector<16xf32>
        %mul3A_188 = vector.broadcast %squeeze3A_176 : f32 to vector<16xf32>
        %mul3A_189 = arith.mulf %get3A_187, %mul3A_188 : vector<16xf32>
        %add3A_190 = arith.addf %add3A_174, %mul3A_189 : vector<16xf32>
        %slice3A_191 = vector.extract_strided_slice %mul3A_112 {offsets = [4], sizes = [1], strides = [1]} : vector<16xf32> to vector<1xf32>
        %squeeze3A_192 = vector.extract %slice3A_191[0] : f32 from vector<1xf32>
        %get3A_193 = arith.index_cast %scan3A_80 : i32 to index
        %get3A_194 = arith.constant 128 : index
        %get3A_195 = tpu.vector_load %arg9[%get3A_193, %get3A_194] {strides = array<i32>} : memref<128x240xf32, #tpu.memory_space<vmem>>, vector<1x16xf32>,
        %get3A_196 = vector.shape_cast %get3A_195 : vector<1x16xf32> to vector<16xf32>
        %mul3A_197 = vector.broadcast %squeeze3A_192 : f32 to vector<16xf32>
        %mul3A_198 = arith.mulf %get3A_196, %mul3A_197 : vector<16xf32>
        %add3A_199 = arith.addf %add3A_183, %mul3A_198 : vector<16xf32>
        %get3A_200 = arith.index_cast %scan3A_80 : i32 to index
        %get3A_201 = arith.constant 144 : index
        %get3A_202 = tpu.vector_load %arg9[%get3A_200, %get3A_201] {strides = array<i32>} : memref<128x240xf32, #tpu.memory_space<vmem>>, vector<1x16xf32>,
        %get3A_203 = vector.shape_cast %get3A_202 : vector<1x16xf32> to vector<16xf32>
        %mul3A_204 = vector.broadcast %squeeze3A_192 : f32 to vector<16xf32>
        %mul3A_205 = arith.mulf %get3A_203, %mul3A_204 : vector<16xf32>
        %add3A_206 = arith.addf %add3A_190, %mul3A_205 : vector<16xf32>
        %slice3A_207 = vector.extract_strided_slice %mul3A_112 {offsets = [5], sizes = [1], strides = [1]} : vector<16xf32> to vector<1xf32>
        %squeeze3A_208 = vector.extract %slice3A_207[0] : f32 from vector<1xf32>
        %get3A_209 = arith.index_cast %scan3A_80 : i32 to index
        %get3A_210 = arith.constant 160 : index
        %get3A_211 = tpu.vector_load %arg9[%get3A_209, %get3A_210] {strides = array<i32>} : memref<128x240xf32, #tpu.memory_space<vmem>>, vector<1x16xf32>,
        %get3A_212 = vector.shape_cast %get3A_211 : vector<1x16xf32> to vector<16xf32>
        %mul3A_213 = vector.broadcast %squeeze3A_208 : f32 to vector<16xf32>
        %mul3A_214 = arith.mulf %get3A_212, %mul3A_213 : vector<16xf32>
        %add3A_215 = arith.addf %add3A_199, %mul3A_214 : vector<16xf32>
        %get3A_216 = arith.index_cast %scan3A_80 : i32 to index
        %get3A_217 = arith.constant 176 : index
        %get3A_218 = tpu.vector_load %arg9[%get3A_216, %get3A_217] {strides = array<i32>} : memref<128x240xf32, #tpu.memory_space<vmem>>, vector<1x16xf32>,
        %get3A_219 = vector.shape_cast %get3A_218 : vector<1x16xf32> to vector<16xf32>
        %mul3A_220 = vector.broadcast %squeeze3A_208 : f32 to vector<16xf32>
        %mul3A_221 = arith.mulf %get3A_219, %mul3A_220 : vector<16xf32>
        %add3A_222 = arith.addf %add3A_206, %mul3A_221 : vector<16xf32>
        %swap3A = arith.index_cast %scan3A_80 : i32 to index
        %swap3A_223 = arith.constant 0 : index
        %swap3A_224 = tpu.vector_load %arg10[%swap3A, %swap3A_223] {strides = array<i32>} : memref<128x48xf32, #tpu.memory_space<vmem>>, vector<1x16xf32>,
        %swap3A_225 = vector.shape_cast %swap3A_224 : vector<1x16xf32> to vector<16xf32>
        %swap3A_226 = vector.shape_cast %add3A_215 : vector<16xf32> to vector<1x16xf32>
        tpu.vector_store %arg10[%swap3A, %swap3A_223], %swap3A_226 {strides = array<i32>} : memref<128x48xf32, #tpu.memory_space<vmem>>, vector<1x16xf32>,
        %swap3A_227 = arith.index_cast %scan3A_80 : i32 to index
        %swap3A_228 = arith.constant 16 : index
        %swap3A_229 = tpu.vector_load %arg10[%swap3A_227, %swap3A_228] {strides = array<i32>} : memref<128x48xf32, #tpu.memory_space<vmem>>, vector<1x16xf32>,
        %swap3A_230 = vector.shape_cast %swap3A_229 : vector<1x16xf32> to vector<16xf32>
        %swap3A_231 = vector.shape_cast %add3A_222 : vector<16xf32> to vector<1x16xf32>
        tpu.vector_store %arg10[%swap3A_227, %swap3A_228], %swap3A_231 {strides = array<i32>} : memref<128x48xf32, #tpu.memory_space<vmem>>, vector<1x16xf32>,
        %mul3A_232 = arith.mulf %get3A_40, %select_n3A : vector<16xf32>
        %swap3A_233 = arith.index_cast %scan3A_80 : i32 to index
        %swap3A_234 = arith.constant 32 : index
        %swap3A_235 = tpu.vector_load %arg10[%swap3A_233, %swap3A_234] {strides = array<i32>} : memref<128x48xf32, #tpu.memory_space<vmem>>, vector<1x16xf32>,
        %swap3A_236 = vector.shape_cast %swap3A_235 : vector<1x16xf32> to vector<16xf32>
        %swap3A_237 = vector.shape_cast %mul3A_232 : vector<16xf32> to vector<1x16xf32>
        tpu.vector_store %arg10[%swap3A_233, %swap3A_234], %swap3A_237 {strides = array<i32>} : memref<128x48xf32, #tpu.memory_space<vmem>>, vector<1x16xf32>,
        %scan3A_238 = arith.constant 1 : i32
        %scan3A_239 = arith.addi %scan3A_80, %scan3A_238 : i32
        %get3A_240 = arith.index_cast %scan3A_239 : i32 to index
        %get3A_241 = arith.constant 0 : index
        %get3A_242 = tpu.vector_load %arg8[%get3A_240, %get3A_241] {strides = array<i32>} : memref<128x16xf32, #tpu.memory_space<vmem>>, vector<1x16xf32>,
        %get3A_243 = vector.shape_cast %get3A_242 : vector<1x16xf32> to vector<16xf32>
        %get3A_244 = arith.index_cast %scan3A_239 : i32 to index
        %get3A_245 = arith.constant 224 : index
        %get3A_246 = tpu.vector_load %arg9[%get3A_244, %get3A_245] {strides = array<i32>} : memref<128x240xf32, #tpu.memory_space<vmem>>, vector<1x16xf32>,
        %get3A_247 = vector.shape_cast %get3A_246 : vector<1x16xf32> to vector<16xf32>
        %sub3A_248 = arith.subf %get3A_243, %get3A_247 : vector<16xf32>
        %abs3A_249 = math.absf %sub3A_248 : vector<16xf32>
        %slice3A_250 = vector.extract_strided_slice %abs3A_249 {offsets = [0], sizes = [1], strides = [1]} : vector<16xf32> to vector<1xf32>
        %squeeze3A_251 = vector.extract %slice3A_250[0] : f32 from vector<1xf32>
        %broadcast_in_dim3A_252 = vector.broadcast %squeeze3A_251 : f32 to vector<16xf32>
        %slice3A_253 = vector.extract_strided_slice %abs3A_249 {offsets = [1], sizes = [1], strides = [1]} : vector<16xf32> to vector<1xf32>
        %squeeze3A_254 = vector.extract %slice3A_253[0] : f32 from vector<1xf32>
        %broadcast_in_dim3A_255 = vector.broadcast %squeeze3A_254 : f32 to vector<16xf32>
        %max3A_256 = arith.maximumf %broadcast_in_dim3A_252, %broadcast_in_dim3A_255 : vector<16xf32>
        %lt3A_257 = arith.constant 2.000000e-01 : f32
        %lt3A_258 = vector.broadcast %lt3A_257 : f32 to vector<16xf32>
        %lt3A_259 = arith.cmpf olt, %max3A_256, %lt3A_258 : vector<16xf32>
        %jit3A_260 = arith.constant 1.000000e+00 : f32
        %jit3A_261 = arith.constant 0.000000e+00 : f32
        %broadcast_in_dim3A_262 = vector.broadcast %jit3A_260 : f32 to vector<16xf32>
        %broadcast_in_dim3A_263 = vector.broadcast %jit3A_261 : f32 to vector<16xf32>
        %select_n3A_264 = arith.select %lt3A_259, %broadcast_in_dim3A_262, %broadcast_in_dim3A_263 : vector<16xi1>, vector<16xf32>
        %slice3A_265 = vector.extract_strided_slice %sub3A_248 {offsets = [0], sizes = [1], strides = [1]} : vector<16xf32> to vector<1xf32>
        %squeeze3A_266 = vector.extract %slice3A_265[0] : f32 from vector<1xf32>
        %mul3A_267 = vector.broadcast %squeeze3A_266 : f32 to vector<16xf32>
        %mul3A_268 = arith.mulf %get3A_20, %mul3A_267 : vector<16xf32>
        %slice3A_269 = vector.extract_strided_slice %sub3A_248 {offsets = [1], sizes = [1], strides = [1]} : vector<16xf32> to vector<1xf32>
        %squeeze3A_270 = vector.extract %slice3A_269[0] : f32 from vector<1xf32>
        %mul3A_271 = vector.broadcast %squeeze3A_270 : f32 to vector<16xf32>
        %mul3A_272 = arith.mulf %get3A_25, %mul3A_271 : vector<16xf32>
        %add3A_273 = arith.addf %mul3A_268, %mul3A_272 : vector<16xf32>
        %add3A_274 = arith.addf %add3A_273, %get3A_30 : vector<16xf32>
        %max3A_275 = arith.constant 0.000000e+00 : f32
        %max3A_276 = vector.broadcast %max3A_275 : f32 to vector<16xf32>
        %max3A_277 = arith.maximumf %add3A_274, %max3A_276 : vector<16xf32>
        %add3A_278 = arith.addf %max3A_277, %get3A_35 : vector<16xf32>
        %mul3A_279 = arith.mulf %add3A_278, %select_n3A_264 : vector<16xf32>
        %slice3A_280 = vector.extract_strided_slice %mul3A_279 {offsets = [6], sizes = [1], strides = [1]} : vector<16xf32> to vector<1xf32>
        %squeeze3A_281 = vector.extract %slice3A_280[0] : f32 from vector<1xf32>
        %get3A_282 = arith.index_cast %scan3A_239 : i32 to index
        %get3A_283 = arith.constant 192 : index
        %get3A_284 = tpu.vector_load %arg9[%get3A_282, %get3A_283] {strides = array<i32>} : memref<128x240xf32, #tpu.memory_space<vmem>>, vector<1x16xf32>,
        %get3A_285 = vector.shape_cast %get3A_284 : vector<1x16xf32> to vector<16xf32>
        %mul3A_286 = vector.broadcast %squeeze3A_281 : f32 to vector<16xf32>
        %mul3A_287 = arith.mulf %get3A_285, %mul3A_286 : vector<16xf32>
        %get3A_288 = arith.index_cast %scan3A_239 : i32 to index
        %get3A_289 = arith.constant 208 : index
        %get3A_290 = tpu.vector_load %arg9[%get3A_288, %get3A_289] {strides = array<i32>} : memref<128x240xf32, #tpu.memory_space<vmem>>, vector<1x16xf32>,
        %get3A_291 = vector.shape_cast %get3A_290 : vector<1x16xf32> to vector<16xf32>
        %mul3A_292 = vector.broadcast %squeeze3A_281 : f32 to vector<16xf32>
        %mul3A_293 = arith.mulf %get3A_291, %mul3A_292 : vector<16xf32>
        %slice3A_294 = vector.extract_strided_slice %mul3A_279 {offsets = [0], sizes = [1], strides = [1]} : vector<16xf32> to vector<1xf32>
        %squeeze3A_295 = vector.extract %slice3A_294[0] : f32 from vector<1xf32>
        %get3A_296 = arith.index_cast %scan3A_239 : i32 to index
        %get3A_297 = arith.constant 0 : index
        %get3A_298 = tpu.vector_load %arg9[%get3A_296, %get3A_297] {strides = array<i32>} : memref<128x240xf32, #tpu.memory_space<vmem>>, vector<1x16xf32>,
        %get3A_299 = vector.shape_cast %get3A_298 : vector<1x16xf32> to vector<16xf32>
        %mul3A_300 = vector.broadcast %squeeze3A_295 : f32 to vector<16xf32>
        %mul3A_301 = arith.mulf %get3A_299, %mul3A_300 : vector<16xf32>
        %add3A_302 = arith.addf %mul3A_287, %mul3A_301 : vector<16xf32>
        %get3A_303 = arith.index_cast %scan3A_239 : i32 to index
        %get3A_304 = arith.constant 16 : index
        %get3A_305 = tpu.vector_load %arg9[%get3A_303, %get3A_304] {strides = array<i32>} : memref<128x240xf32, #tpu.memory_space<vmem>>, vector<1x16xf32>,
        %get3A_306 = vector.shape_cast %get3A_305 : vector<1x16xf32> to vector<16xf32>
        %mul3A_307 = vector.broadcast %squeeze3A_295 : f32 to vector<16xf32>
        %mul3A_308 = arith.mulf %get3A_306, %mul3A_307 : vector<16xf32>
        %add3A_309 = arith.addf %mul3A_293, %mul3A_308 : vector<16xf32>
        %slice3A_310 = vector.extract_strided_slice %mul3A_279 {offsets = [1], sizes = [1], strides = [1]} : vector<16xf32> to vector<1xf32>
        %squeeze3A_311 = vector.extract %slice3A_310[0] : f32 from vector<1xf32>
        %get3A_312 = arith.index_cast %scan3A_239 : i32 to index
        %get3A_313 = arith.constant 32 : index
        %get3A_314 = tpu.vector_load %arg9[%get3A_312, %get3A_313] {strides = array<i32>} : memref<128x240xf32, #tpu.memory_space<vmem>>, vector<1x16xf32>,
        %get3A_315 = vector.shape_cast %get3A_314 : vector<1x16xf32> to vector<16xf32>
        %mul3A_316 = vector.broadcast %squeeze3A_311 : f32 to vector<16xf32>
        %mul3A_317 = arith.mulf %get3A_315, %mul3A_316 : vector<16xf32>
        %add3A_318 = arith.addf %add3A_302, %mul3A_317 : vector<16xf32>
        %get3A_319 = arith.index_cast %scan3A_239 : i32 to index
        %get3A_320 = arith.constant 48 : index
        %get3A_321 = tpu.vector_load %arg9[%get3A_319, %get3A_320] {strides = array<i32>} : memref<128x240xf32, #tpu.memory_space<vmem>>, vector<1x16xf32>,
        %get3A_322 = vector.shape_cast %get3A_321 : vector<1x16xf32> to vector<16xf32>
        %mul3A_323 = vector.broadcast %squeeze3A_311 : f32 to vector<16xf32>
        %mul3A_324 = arith.mulf %get3A_322, %mul3A_323 : vector<16xf32>
        %add3A_325 = arith.addf %add3A_309, %mul3A_324 : vector<16xf32>
        %slice3A_326 = vector.extract_strided_slice %mul3A_279 {offsets = [2], sizes = [1], strides = [1]} : vector<16xf32> to vector<1xf32>
        %squeeze3A_327 = vector.extract %slice3A_326[0] : f32 from vector<1xf32>
        %get3A_328 = arith.index_cast %scan3A_239 : i32 to index
        %get3A_329 = arith.constant 64 : index
        %get3A_330 = tpu.vector_load %arg9[%get3A_328, %get3A_329] {strides = array<i32>} : memref<128x240xf32, #tpu.memory_space<vmem>>, vector<1x16xf32>,
        %get3A_331 = vector.shape_cast %get3A_330 : vector<1x16xf32> to vector<16xf32>
        %mul3A_332 = vector.broadcast %squeeze3A_327 : f32 to vector<16xf32>
        %mul3A_333 = arith.mulf %get3A_331, %mul3A_332 : vector<16xf32>
        %add3A_334 = arith.addf %add3A_318, %mul3A_333 : vector<16xf32>
        %get3A_335 = arith.index_cast %scan3A_239 : i32 to index
        %get3A_336 = arith.constant 80 : index
        %get3A_337 = tpu.vector_load %arg9[%get3A_335, %get3A_336] {strides = array<i32>} : memref<128x240xf32, #tpu.memory_space<vmem>>, vector<1x16xf32>,
        %get3A_338 = vector.shape_cast %get3A_337 : vector<1x16xf32> to vector<16xf32>
        %mul3A_339 = vector.broadcast %squeeze3A_327 : f32 to vector<16xf32>
        %mul3A_340 = arith.mulf %get3A_338, %mul3A_339 : vector<16xf32>
        %add3A_341 = arith.addf %add3A_325, %mul3A_340 : vector<16xf32>
        %slice3A_342 = vector.extract_strided_slice %mul3A_279 {offsets = [3], sizes = [1], strides = [1]} : vector<16xf32> to vector<1xf32>
        %squeeze3A_343 = vector.extract %slice3A_342[0] : f32 from vector<1xf32>
        %get3A_344 = arith.index_cast %scan3A_239 : i32 to index
        %get3A_345 = arith.constant 96 : index
        %get3A_346 = tpu.vector_load %arg9[%get3A_344, %get3A_345] {strides = array<i32>} : memref<128x240xf32, #tpu.memory_space<vmem>>, vector<1x16xf32>,
        %get3A_347 = vector.shape_cast %get3A_346 : vector<1x16xf32> to vector<16xf32>
        %mul3A_348 = vector.broadcast %squeeze3A_343 : f32 to vector<16xf32>
        %mul3A_349 = arith.mulf %get3A_347, %mul3A_348 : vector<16xf32>
        %add3A_350 = arith.addf %add3A_334, %mul3A_349 : vector<16xf32>
        %get3A_351 = arith.index_cast %scan3A_239 : i32 to index
        %get3A_352 = arith.constant 112 : index
        %get3A_353 = tpu.vector_load %arg9[%get3A_351, %get3A_352] {strides = array<i32>} : memref<128x240xf32, #tpu.memory_space<vmem>>, vector<1x16xf32>,
        %get3A_354 = vector.shape_cast %get3A_353 : vector<1x16xf32> to vector<16xf32>
        %mul3A_355 = vector.broadcast %squeeze3A_343 : f32 to vector<16xf32>
        %mul3A_356 = arith.mulf %get3A_354, %mul3A_355 : vector<16xf32>
        %add3A_357 = arith.addf %add3A_341, %mul3A_356 : vector<16xf32>
        %slice3A_358 = vector.extract_strided_slice %mul3A_279 {offsets = [4], sizes = [1], strides = [1]} : vector<16xf32> to vector<1xf32>
        %squeeze3A_359 = vector.extract %slice3A_358[0] : f32 from vector<1xf32>
        %get3A_360 = arith.index_cast %scan3A_239 : i32 to index
        %get3A_361 = arith.constant 128 : index
        %get3A_362 = tpu.vector_load %arg9[%get3A_360, %get3A_361] {strides = array<i32>} : memref<128x240xf32, #tpu.memory_space<vmem>>, vector<1x16xf32>,
        %get3A_363 = vector.shape_cast %get3A_362 : vector<1x16xf32> to vector<16xf32>
        %mul3A_364 = vector.broadcast %squeeze3A_359 : f32 to vector<16xf32>
        %mul3A_365 = arith.mulf %get3A_363, %mul3A_364 : vector<16xf32>
        %add3A_366 = arith.addf %add3A_350, %mul3A_365 : vector<16xf32>
        %get3A_367 = arith.index_cast %scan3A_239 : i32 to index
        %get3A_368 = arith.constant 144 : index
        %get3A_369 = tpu.vector_load %arg9[%get3A_367, %get3A_368] {strides = array<i32>} : memref<128x240xf32, #tpu.memory_space<vmem>>, vector<1x16xf32>,
        %get3A_370 = vector.shape_cast %get3A_369 : vector<1x16xf32> to vector<16xf32>
        %mul3A_371 = vector.broadcast %squeeze3A_359 : f32 to vector<16xf32>
        %mul3A_372 = arith.mulf %get3A_370, %mul3A_371 : vector<16xf32>
        %add3A_373 = arith.addf %add3A_357, %mul3A_372 : vector<16xf32>
        %slice3A_374 = vector.extract_strided_slice %mul3A_279 {offsets = [5], sizes = [1], strides = [1]} : vector<16xf32> to vector<1xf32>
        %squeeze3A_375 = vector.extract %slice3A_374[0] : f32 from vector<1xf32>
        %get3A_376 = arith.index_cast %scan3A_239 : i32 to index
        %get3A_377 = arith.constant 160 : index
        %get3A_378 = tpu.vector_load %arg9[%get3A_376, %get3A_377] {strides = array<i32>} : memref<128x240xf32, #tpu.memory_space<vmem>>, vector<1x16xf32>,
        %get3A_379 = vector.shape_cast %get3A_378 : vector<1x16xf32> to vector<16xf32>
        %mul3A_380 = vector.broadcast %squeeze3A_375 : f32 to vector<16xf32>
        %mul3A_381 = arith.mulf %get3A_379, %mul3A_380 : vector<16xf32>
        %add3A_382 = arith.addf %add3A_366, %mul3A_381 : vector<16xf32>
        %get3A_383 = arith.index_cast %scan3A_239 : i32 to index
        %get3A_384 = arith.constant 176 : index
        %get3A_385 = tpu.vector_load %arg9[%get3A_383, %get3A_384] {strides = array<i32>} : memref<128x240xf32, #tpu.memory_space<vmem>>, vector<1x16xf32>,
        %get3A_386 = vector.shape_cast %get3A_385 : vector<1x16xf32> to vector<16xf32>
        %mul3A_387 = vector.broadcast %squeeze3A_375 : f32 to vector<16xf32>
        %mul3A_388 = arith.mulf %get3A_386, %mul3A_387 : vector<16xf32>
        %add3A_389 = arith.addf %add3A_373, %mul3A_388 : vector<16xf32>
        %swap3A_390 = arith.index_cast %scan3A_239 : i32 to index
        %swap3A_391 = arith.constant 0 : index
        %swap3A_392 = tpu.vector_load %arg10[%swap3A_390, %swap3A_391] {strides = array<i32>} : memref<128x48xf32, #tpu.memory_space<vmem>>, vector<1x16xf32>,
        %swap3A_393 = vector.shape_cast %swap3A_392 : vector<1x16xf32> to vector<16xf32>
        %swap3A_394 = vector.shape_cast %add3A_382 : vector<16xf32> to vector<1x16xf32>
        tpu.vector_store %arg10[%swap3A_390, %swap3A_391], %swap3A_394 {strides = array<i32>} : memref<128x48xf32, #tpu.memory_space<vmem>>, vector<1x16xf32>,
        %swap3A_395 = arith.index_cast %scan3A_239 : i32 to index
        %swap3A_396 = arith.constant 16 : index
        %swap3A_397 = tpu.vector_load %arg10[%swap3A_395, %swap3A_396] {strides = array<i32>} : memref<128x48xf32, #tpu.memory_space<vmem>>, vector<1x16xf32>,
        %swap3A_398 = vector.shape_cast %swap3A_397 : vector<1x16xf32> to vector<16xf32>
        %swap3A_399 = vector.shape_cast %add3A_389 : vector<16xf32> to vector<1x16xf32>
        tpu.vector_store %arg10[%swap3A_395, %swap3A_396], %swap3A_399 {strides = array<i32>} : memref<128x48xf32, #tpu.memory_space<vmem>>, vector<1x16xf32>,
        %mul3A_400 = arith.mulf %get3A_40, %select_n3A_264 : vector<16xf32>
        %swap3A_401 = arith.index_cast %scan3A_239 : i32 to index
        %swap3A_402 = arith.constant 32 : index
        %swap3A_403 = tpu.vector_load %arg10[%swap3A_401, %swap3A_402] {strides = array<i32>} : memref<128x48xf32, #tpu.memory_space<vmem>>, vector<1x16xf32>,
        %swap3A_404 = vector.shape_cast %swap3A_403 : vector<1x16xf32> to vector<16xf32>
        %swap3A_405 = vector.shape_cast %mul3A_400 : vector<16xf32> to vector<1x16xf32>
        tpu.vector_store %arg10[%swap3A_401, %swap3A_402], %swap3A_405 {strides = array<i32>} : memref<128x48xf32, #tpu.memory_space<vmem>>, vector<1x16xf32>,
        %scan3A_406 = arith.constant 2 : i32
        %scan3A_407 = arith.addi %scan3A_80, %scan3A_406 : i32
        %get3A_408 = arith.index_cast %scan3A_407 : i32 to index
        %get3A_409 = arith.constant 0 : index
        %get3A_410 = tpu.vector_load %arg8[%get3A_408, %get3A_409] {strides = array<i32>} : memref<128x16xf32, #tpu.memory_space<vmem>>, vector<1x16xf32>,
        %get3A_411 = vector.shape_cast %get3A_410 : vector<1x16xf32> to vector<16xf32>
        %get3A_412 = arith.index_cast %scan3A_407 : i32 to index
        %get3A_413 = arith.constant 224 : index
        %get3A_414 = tpu.vector_load %arg9[%get3A_412, %get3A_413] {strides = array<i32>} : memref<128x240xf32, #tpu.memory_space<vmem>>, vector<1x16xf32>,
        %get3A_415 = vector.shape_cast %get3A_414 : vector<1x16xf32> to vector<16xf32>
        %sub3A_416 = arith.subf %get3A_411, %get3A_415 : vector<16xf32>
        %abs3A_417 = math.absf %sub3A_416 : vector<16xf32>
        %slice3A_418 = vector.extract_strided_slice %abs3A_417 {offsets = [0], sizes = [1], strides = [1]} : vector<16xf32> to vector<1xf32>
        %squeeze3A_419 = vector.extract %slice3A_418[0] : f32 from vector<1xf32>
        %broadcast_in_dim3A_420 = vector.broadcast %squeeze3A_419 : f32 to vector<16xf32>
        %slice3A_421 = vector.extract_strided_slice %abs3A_417 {offsets = [1], sizes = [1], strides = [1]} : vector<16xf32> to vector<1xf32>
        %squeeze3A_422 = vector.extract %slice3A_421[0] : f32 from vector<1xf32>
        %broadcast_in_dim3A_423 = vector.broadcast %squeeze3A_422 : f32 to vector<16xf32>
        %max3A_424 = arith.maximumf %broadcast_in_dim3A_420, %broadcast_in_dim3A_423 : vector<16xf32>
        %lt3A_425 = arith.constant 2.000000e-01 : f32
        %lt3A_426 = vector.broadcast %lt3A_425 : f32 to vector<16xf32>
        %lt3A_427 = arith.cmpf olt, %max3A_424, %lt3A_426 : vector<16xf32>
        %jit3A_428 = arith.constant 1.000000e+00 : f32
        %jit3A_429 = arith.constant 0.000000e+00 : f32
        %broadcast_in_dim3A_430 = vector.broadcast %jit3A_428 : f32 to vector<16xf32>
        %broadcast_in_dim3A_431 = vector.broadcast %jit3A_429 : f32 to vector<16xf32>
        %select_n3A_432 = arith.select %lt3A_427, %broadcast_in_dim3A_430, %broadcast_in_dim3A_431 : vector<16xi1>, vector<16xf32>
        %slice3A_433 = vector.extract_strided_slice %sub3A_416 {offsets = [0], sizes = [1], strides = [1]} : vector<16xf32> to vector<1xf32>
        %squeeze3A_434 = vector.extract %slice3A_433[0] : f32 from vector<1xf32>
        %mul3A_435 = vector.broadcast %squeeze3A_434 : f32 to vector<16xf32>
        %mul3A_436 = arith.mulf %get3A_20, %mul3A_435 : vector<16xf32>
        %slice3A_437 = vector.extract_strided_slice %sub3A_416 {offsets = [1], sizes = [1], strides = [1]} : vector<16xf32> to vector<1xf32>
        %squeeze3A_438 = vector.extract %slice3A_437[0] : f32 from vector<1xf32>
        %mul3A_439 = vector.broadcast %squeeze3A_438 : f32 to vector<16xf32>
        %mul3A_440 = arith.mulf %get3A_25, %mul3A_439 : vector<16xf32>
        %add3A_441 = arith.addf %mul3A_436, %mul3A_440 : vector<16xf32>
        %add3A_442 = arith.addf %add3A_441, %get3A_30 : vector<16xf32>
        %max3A_443 = arith.constant 0.000000e+00 : f32
        %max3A_444 = vector.broadcast %max3A_443 : f32 to vector<16xf32>
        %max3A_445 = arith.maximumf %add3A_442, %max3A_444 : vector<16xf32>
        %add3A_446 = arith.addf %max3A_445, %get3A_35 : vector<16xf32>
        %mul3A_447 = arith.mulf %add3A_446, %select_n3A_432 : vector<16xf32>
        %slice3A_448 = vector.extract_strided_slice %mul3A_447 {offsets = [6], sizes = [1], strides = [1]} : vector<16xf32> to vector<1xf32>
        %squeeze3A_449 = vector.extract %slice3A_448[0] : f32 from vector<1xf32>
        %get3A_450 = arith.index_cast %scan3A_407 : i32 to index
        %get3A_451 = arith.constant 192 : index
        %get3A_452 = tpu.vector_load %arg9[%get3A_450, %get3A_451] {strides = array<i32>} : memref<128x240xf32, #tpu.memory_space<vmem>>, vector<1x16xf32>,
        %get3A_453 = vector.shape_cast %get3A_452 : vector<1x16xf32> to vector<16xf32>
        %mul3A_454 = vector.broadcast %squeeze3A_449 : f32 to vector<16xf32>
        %mul3A_455 = arith.mulf %get3A_453, %mul3A_454 : vector<16xf32>
        %get3A_456 = arith.index_cast %scan3A_407 : i32 to index
        %get3A_457 = arith.constant 208 : index
        %get3A_458 = tpu.vector_load %arg9[%get3A_456, %get3A_457] {strides = array<i32>} : memref<128x240xf32, #tpu.memory_space<vmem>>, vector<1x16xf32>,
        %get3A_459 = vector.shape_cast %get3A_458 : vector<1x16xf32> to vector<16xf32>
        %mul3A_460 = vector.broadcast %squeeze3A_449 : f32 to vector<16xf32>
        %mul3A_461 = arith.mulf %get3A_459, %mul3A_460 : vector<16xf32>
        %slice3A_462 = vector.extract_strided_slice %mul3A_447 {offsets = [0], sizes = [1], strides = [1]} : vector<16xf32> to vector<1xf32>
        %squeeze3A_463 = vector.extract %slice3A_462[0] : f32 from vector<1xf32>
        %get3A_464 = arith.index_cast %scan3A_407 : i32 to index
        %get3A_465 = arith.constant 0 : index
        %get3A_466 = tpu.vector_load %arg9[%get3A_464, %get3A_465] {strides = array<i32>} : memref<128x240xf32, #tpu.memory_space<vmem>>, vector<1x16xf32>,
        %get3A_467 = vector.shape_cast %get3A_466 : vector<1x16xf32> to vector<16xf32>
        %mul3A_468 = vector.broadcast %squeeze3A_463 : f32 to vector<16xf32>
        %mul3A_469 = arith.mulf %get3A_467, %mul3A_468 : vector<16xf32>
        %add3A_470 = arith.addf %mul3A_455, %mul3A_469 : vector<16xf32>
        %get3A_471 = arith.index_cast %scan3A_407 : i32 to index
        %get3A_472 = arith.constant 16 : index
        %get3A_473 = tpu.vector_load %arg9[%get3A_471, %get3A_472] {strides = array<i32>} : memref<128x240xf32, #tpu.memory_space<vmem>>, vector<1x16xf32>,
        %get3A_474 = vector.shape_cast %get3A_473 : vector<1x16xf32> to vector<16xf32>
        %mul3A_475 = vector.broadcast %squeeze3A_463 : f32 to vector<16xf32>
        %mul3A_476 = arith.mulf %get3A_474, %mul3A_475 : vector<16xf32>
        %add3A_477 = arith.addf %mul3A_461, %mul3A_476 : vector<16xf32>
        %slice3A_478 = vector.extract_strided_slice %mul3A_447 {offsets = [1], sizes = [1], strides = [1]} : vector<16xf32> to vector<1xf32>
        %squeeze3A_479 = vector.extract %slice3A_478[0] : f32 from vector<1xf32>
        %get3A_480 = arith.index_cast %scan3A_407 : i32 to index
        %get3A_481 = arith.constant 32 : index
        %get3A_482 = tpu.vector_load %arg9[%get3A_480, %get3A_481] {strides = array<i32>} : memref<128x240xf32, #tpu.memory_space<vmem>>, vector<1x16xf32>,
        %get3A_483 = vector.shape_cast %get3A_482 : vector<1x16xf32> to vector<16xf32>
        %mul3A_484 = vector.broadcast %squeeze3A_479 : f32 to vector<16xf32>
        %mul3A_485 = arith.mulf %get3A_483, %mul3A_484 : vector<16xf32>
        %add3A_486 = arith.addf %add3A_470, %mul3A_485 : vector<16xf32>
        %get3A_487 = arith.index_cast %scan3A_407 : i32 to index
        %get3A_488 = arith.constant 48 : index
        %get3A_489 = tpu.vector_load %arg9[%get3A_487, %get3A_488] {strides = array<i32>} : memref<128x240xf32, #tpu.memory_space<vmem>>, vector<1x16xf32>,
        %get3A_490 = vector.shape_cast %get3A_489 : vector<1x16xf32> to vector<16xf32>
        %mul3A_491 = vector.broadcast %squeeze3A_479 : f32 to vector<16xf32>
        %mul3A_492 = arith.mulf %get3A_490, %mul3A_491 : vector<16xf32>
        %add3A_493 = arith.addf %add3A_477, %mul3A_492 : vector<16xf32>
        %slice3A_494 = vector.extract_strided_slice %mul3A_447 {offsets = [2], sizes = [1], strides = [1]} : vector<16xf32> to vector<1xf32>
        %squeeze3A_495 = vector.extract %slice3A_494[0] : f32 from vector<1xf32>
        %get3A_496 = arith.index_cast %scan3A_407 : i32 to index
        %get3A_497 = arith.constant 64 : index
        %get3A_498 = tpu.vector_load %arg9[%get3A_496, %get3A_497] {strides = array<i32>} : memref<128x240xf32, #tpu.memory_space<vmem>>, vector<1x16xf32>,
        %get3A_499 = vector.shape_cast %get3A_498 : vector<1x16xf32> to vector<16xf32>
        %mul3A_500 = vector.broadcast %squeeze3A_495 : f32 to vector<16xf32>
        %mul3A_501 = arith.mulf %get3A_499, %mul3A_500 : vector<16xf32>
        %add3A_502 = arith.addf %add3A_486, %mul3A_501 : vector<16xf32>
        %get3A_503 = arith.index_cast %scan3A_407 : i32 to index
        %get3A_504 = arith.constant 80 : index
        %get3A_505 = tpu.vector_load %arg9[%get3A_503, %get3A_504] {strides = array<i32>} : memref<128x240xf32, #tpu.memory_space<vmem>>, vector<1x16xf32>,
        %get3A_506 = vector.shape_cast %get3A_505 : vector<1x16xf32> to vector<16xf32>
        %mul3A_507 = vector.broadcast %squeeze3A_495 : f32 to vector<16xf32>
        %mul3A_508 = arith.mulf %get3A_506, %mul3A_507 : vector<16xf32>
        %add3A_509 = arith.addf %add3A_493, %mul3A_508 : vector<16xf32>
        %slice3A_510 = vector.extract_strided_slice %mul3A_447 {offsets = [3], sizes = [1], strides = [1]} : vector<16xf32> to vector<1xf32>
        %squeeze3A_511 = vector.extract %slice3A_510[0] : f32 from vector<1xf32>
        %get3A_512 = arith.index_cast %scan3A_407 : i32 to index
        %get3A_513 = arith.constant 96 : index
        %get3A_514 = tpu.vector_load %arg9[%get3A_512, %get3A_513] {strides = array<i32>} : memref<128x240xf32, #tpu.memory_space<vmem>>, vector<1x16xf32>,
        %get3A_515 = vector.shape_cast %get3A_514 : vector<1x16xf32> to vector<16xf32>
        %mul3A_516 = vector.broadcast %squeeze3A_511 : f32 to vector<16xf32>
        %mul3A_517 = arith.mulf %get3A_515, %mul3A_516 : vector<16xf32>
        %add3A_518 = arith.addf %add3A_502, %mul3A_517 : vector<16xf32>
        %get3A_519 = arith.index_cast %scan3A_407 : i32 to index
        %get3A_520 = arith.constant 112 : index
        %get3A_521 = tpu.vector_load %arg9[%get3A_519, %get3A_520] {strides = array<i32>} : memref<128x240xf32, #tpu.memory_space<vmem>>, vector<1x16xf32>,
        %get3A_522 = vector.shape_cast %get3A_521 : vector<1x16xf32> to vector<16xf32>
        %mul3A_523 = vector.broadcast %squeeze3A_511 : f32 to vector<16xf32>
        %mul3A_524 = arith.mulf %get3A_522, %mul3A_523 : vector<16xf32>
        %add3A_525 = arith.addf %add3A_509, %mul3A_524 : vector<16xf32>
        %slice3A_526 = vector.extract_strided_slice %mul3A_447 {offsets = [4], sizes = [1], strides = [1]} : vector<16xf32> to vector<1xf32>
        %squeeze3A_527 = vector.extract %slice3A_526[0] : f32 from vector<1xf32>
        %get3A_528 = arith.index_cast %scan3A_407 : i32 to index
        %get3A_529 = arith.constant 128 : index
        %get3A_530 = tpu.vector_load %arg9[%get3A_528, %get3A_529] {strides = array<i32>} : memref<128x240xf32, #tpu.memory_space<vmem>>, vector<1x16xf32>,
        %get3A_531 = vector.shape_cast %get3A_530 : vector<1x16xf32> to vector<16xf32>
        %mul3A_532 = vector.broadcast %squeeze3A_527 : f32 to vector<16xf32>
        %mul3A_533 = arith.mulf %get3A_531, %mul3A_532 : vector<16xf32>
        %add3A_534 = arith.addf %add3A_518, %mul3A_533 : vector<16xf32>
        %get3A_535 = arith.index_cast %scan3A_407 : i32 to index
        %get3A_536 = arith.constant 144 : index
        %get3A_537 = tpu.vector_load %arg9[%get3A_535, %get3A_536] {strides = array<i32>} : memref<128x240xf32, #tpu.memory_space<vmem>>, vector<1x16xf32>,
        %get3A_538 = vector.shape_cast %get3A_537 : vector<1x16xf32> to vector<16xf32>
        %mul3A_539 = vector.broadcast %squeeze3A_527 : f32 to vector<16xf32>
        %mul3A_540 = arith.mulf %get3A_538, %mul3A_539 : vector<16xf32>
        %add3A_541 = arith.addf %add3A_525, %mul3A_540 : vector<16xf32>
        %slice3A_542 = vector.extract_strided_slice %mul3A_447 {offsets = [5], sizes = [1], strides = [1]} : vector<16xf32> to vector<1xf32>
        %squeeze3A_543 = vector.extract %slice3A_542[0] : f32 from vector<1xf32>
        %get3A_544 = arith.index_cast %scan3A_407 : i32 to index
        %get3A_545 = arith.constant 160 : index
        %get3A_546 = tpu.vector_load %arg9[%get3A_544, %get3A_545] {strides = array<i32>} : memref<128x240xf32, #tpu.memory_space<vmem>>, vector<1x16xf32>,
        %get3A_547 = vector.shape_cast %get3A_546 : vector<1x16xf32> to vector<16xf32>
        %mul3A_548 = vector.broadcast %squeeze3A_543 : f32 to vector<16xf32>
        %mul3A_549 = arith.mulf %get3A_547, %mul3A_548 : vector<16xf32>
        %add3A_550 = arith.addf %add3A_534, %mul3A_549 : vector<16xf32>
        %get3A_551 = arith.index_cast %scan3A_407 : i32 to index
        %get3A_552 = arith.constant 176 : index
        %get3A_553 = tpu.vector_load %arg9[%get3A_551, %get3A_552] {strides = array<i32>} : memref<128x240xf32, #tpu.memory_space<vmem>>, vector<1x16xf32>,
        %get3A_554 = vector.shape_cast %get3A_553 : vector<1x16xf32> to vector<16xf32>
        %mul3A_555 = vector.broadcast %squeeze3A_543 : f32 to vector<16xf32>
        %mul3A_556 = arith.mulf %get3A_554, %mul3A_555 : vector<16xf32>
        %add3A_557 = arith.addf %add3A_541, %mul3A_556 : vector<16xf32>
        %swap3A_558 = arith.index_cast %scan3A_407 : i32 to index
        %swap3A_559 = arith.constant 0 : index
        %swap3A_560 = tpu.vector_load %arg10[%swap3A_558, %swap3A_559] {strides = array<i32>} : memref<128x48xf32, #tpu.memory_space<vmem>>, vector<1x16xf32>,
        %swap3A_561 = vector.shape_cast %swap3A_560 : vector<1x16xf32> to vector<16xf32>
        %swap3A_562 = vector.shape_cast %add3A_550 : vector<16xf32> to vector<1x16xf32>
        tpu.vector_store %arg10[%swap3A_558, %swap3A_559], %swap3A_562 {strides = array<i32>} : memref<128x48xf32, #tpu.memory_space<vmem>>, vector<1x16xf32>,
        %swap3A_563 = arith.index_cast %scan3A_407 : i32 to index
        %swap3A_564 = arith.constant 16 : index
        %swap3A_565 = tpu.vector_load %arg10[%swap3A_563, %swap3A_564] {strides = array<i32>} : memref<128x48xf32, #tpu.memory_space<vmem>>, vector<1x16xf32>,
        %swap3A_566 = vector.shape_cast %swap3A_565 : vector<1x16xf32> to vector<16xf32>
        %swap3A_567 = vector.shape_cast %add3A_557 : vector<16xf32> to vector<1x16xf32>
        tpu.vector_store %arg10[%swap3A_563, %swap3A_564], %swap3A_567 {strides = array<i32>} : memref<128x48xf32, #tpu.memory_space<vmem>>, vector<1x16xf32>,
        %mul3A_568 = arith.mulf %get3A_40, %select_n3A_432 : vector<16xf32>
        %swap3A_569 = arith.index_cast %scan3A_407 : i32 to index
        %swap3A_570 = arith.constant 32 : index
        %swap3A_571 = tpu.vector_load %arg10[%swap3A_569, %swap3A_570] {strides = array<i32>} : memref<128x48xf32, #tpu.memory_space<vmem>>, vector<1x16xf32>,
        %swap3A_572 = vector.shape_cast %swap3A_571 : vector<1x16xf32> to vector<16xf32>
        %swap3A_573 = vector.shape_cast %mul3A_568 : vector<16xf32> to vector<1x16xf32>
        tpu.vector_store %arg10[%swap3A_569, %swap3A_570], %swap3A_573 {strides = array<i32>} : memref<128x48xf32, #tpu.memory_space<vmem>>, vector<1x16xf32>,
        %scan3A_574 = arith.constant 3 : i32
        %scan3A_575 = arith.addi %scan3A_80, %scan3A_574 : i32
        %get3A_576 = arith.index_cast %scan3A_575 : i32 to index
        %get3A_577 = arith.constant 0 : index
        %get3A_578 = tpu.vector_load %arg8[%get3A_576, %get3A_577] {strides = array<i32>} : memref<128x16xf32, #tpu.memory_space<vmem>>, vector<1x16xf32>,
        %get3A_579 = vector.shape_cast %get3A_578 : vector<1x16xf32> to vector<16xf32>
        %get3A_580 = arith.index_cast %scan3A_575 : i32 to index
        %get3A_581 = arith.constant 224 : index
        %get3A_582 = tpu.vector_load %arg9[%get3A_580, %get3A_581] {strides = array<i32>} : memref<128x240xf32, #tpu.memory_space<vmem>>, vector<1x16xf32>,
        %get3A_583 = vector.shape_cast %get3A_582 : vector<1x16xf32> to vector<16xf32>
        %sub3A_584 = arith.subf %get3A_579, %get3A_583 : vector<16xf32>
        %abs3A_585 = math.absf %sub3A_584 : vector<16xf32>
        %slice3A_586 = vector.extract_strided_slice %abs3A_585 {offsets = [0], sizes = [1], strides = [1]} : vector<16xf32> to vector<1xf32>
        %squeeze3A_587 = vector.extract %slice3A_586[0] : f32 from vector<1xf32>
        %broadcast_in_dim3A_588 = vector.broadcast %squeeze3A_587 : f32 to vector<16xf32>
        %slice3A_589 = vector.extract_strided_slice %abs3A_585 {offsets = [1], sizes = [1], strides = [1]} : vector<16xf32> to vector<1xf32>
        %squeeze3A_590 = vector.extract %slice3A_589[0] : f32 from vector<1xf32>
        %broadcast_in_dim3A_591 = vector.broadcast %squeeze3A_590 : f32 to vector<16xf32>
        %max3A_592 = arith.maximumf %broadcast_in_dim3A_588, %broadcast_in_dim3A_591 : vector<16xf32>
        %lt3A_593 = arith.constant 2.000000e-01 : f32
        %lt3A_594 = vector.broadcast %lt3A_593 : f32 to vector<16xf32>
        %lt3A_595 = arith.cmpf olt, %max3A_592, %lt3A_594 : vector<16xf32>
        %jit3A_596 = arith.constant 1.000000e+00 : f32
        %jit3A_597 = arith.constant 0.000000e+00 : f32
        %broadcast_in_dim3A_598 = vector.broadcast %jit3A_596 : f32 to vector<16xf32>
        %broadcast_in_dim3A_599 = vector.broadcast %jit3A_597 : f32 to vector<16xf32>
        %select_n3A_600 = arith.select %lt3A_595, %broadcast_in_dim3A_598, %broadcast_in_dim3A_599 : vector<16xi1>, vector<16xf32>
        %slice3A_601 = vector.extract_strided_slice %sub3A_584 {offsets = [0], sizes = [1], strides = [1]} : vector<16xf32> to vector<1xf32>
        %squeeze3A_602 = vector.extract %slice3A_601[0] : f32 from vector<1xf32>
        %mul3A_603 = vector.broadcast %squeeze3A_602 : f32 to vector<16xf32>
        %mul3A_604 = arith.mulf %get3A_20, %mul3A_603 : vector<16xf32>
        %slice3A_605 = vector.extract_strided_slice %sub3A_584 {offsets = [1], sizes = [1], strides = [1]} : vector<16xf32> to vector<1xf32>
        %squeeze3A_606 = vector.extract %slice3A_605[0] : f32 from vector<1xf32>
        %mul3A_607 = vector.broadcast %squeeze3A_606 : f32 to vector<16xf32>
        %mul3A_608 = arith.mulf %get3A_25, %mul3A_607 : vector<16xf32>
        %add3A_609 = arith.addf %mul3A_604, %mul3A_608 : vector<16xf32>
        %add3A_610 = arith.addf %add3A_609, %get3A_30 : vector<16xf32>
        %max3A_611 = arith.constant 0.000000e+00 : f32
        %max3A_612 = vector.broadcast %max3A_611 : f32 to vector<16xf32>
        %max3A_613 = arith.maximumf %add3A_610, %max3A_612 : vector<16xf32>
        %add3A_614 = arith.addf %max3A_613, %get3A_35 : vector<16xf32>
        %mul3A_615 = arith.mulf %add3A_614, %select_n3A_600 : vector<16xf32>
        %slice3A_616 = vector.extract_strided_slice %mul3A_615 {offsets = [6], sizes = [1], strides = [1]} : vector<16xf32> to vector<1xf32>
        %squeeze3A_617 = vector.extract %slice3A_616[0] : f32 from vector<1xf32>
        %get3A_618 = arith.index_cast %scan3A_575 : i32 to index
        %get3A_619 = arith.constant 192 : index
        %get3A_620 = tpu.vector_load %arg9[%get3A_618, %get3A_619] {strides = array<i32>} : memref<128x240xf32, #tpu.memory_space<vmem>>, vector<1x16xf32>,
        %get3A_621 = vector.shape_cast %get3A_620 : vector<1x16xf32> to vector<16xf32>
        %mul3A_622 = vector.broadcast %squeeze3A_617 : f32 to vector<16xf32>
        %mul3A_623 = arith.mulf %get3A_621, %mul3A_622 : vector<16xf32>
        %get3A_624 = arith.index_cast %scan3A_575 : i32 to index
        %get3A_625 = arith.constant 208 : index
        %get3A_626 = tpu.vector_load %arg9[%get3A_624, %get3A_625] {strides = array<i32>} : memref<128x240xf32, #tpu.memory_space<vmem>>, vector<1x16xf32>,
        %get3A_627 = vector.shape_cast %get3A_626 : vector<1x16xf32> to vector<16xf32>
        %mul3A_628 = vector.broadcast %squeeze3A_617 : f32 to vector<16xf32>
        %mul3A_629 = arith.mulf %get3A_627, %mul3A_628 : vector<16xf32>
        %slice3A_630 = vector.extract_strided_slice %mul3A_615 {offsets = [0], sizes = [1], strides = [1]} : vector<16xf32> to vector<1xf32>
        %squeeze3A_631 = vector.extract %slice3A_630[0] : f32 from vector<1xf32>
        %get3A_632 = arith.index_cast %scan3A_575 : i32 to index
        %get3A_633 = arith.constant 0 : index
        %get3A_634 = tpu.vector_load %arg9[%get3A_632, %get3A_633] {strides = array<i32>} : memref<128x240xf32, #tpu.memory_space<vmem>>, vector<1x16xf32>,
        %get3A_635 = vector.shape_cast %get3A_634 : vector<1x16xf32> to vector<16xf32>
        %mul3A_636 = vector.broadcast %squeeze3A_631 : f32 to vector<16xf32>
        %mul3A_637 = arith.mulf %get3A_635, %mul3A_636 : vector<16xf32>
        %add3A_638 = arith.addf %mul3A_623, %mul3A_637 : vector<16xf32>
        %get3A_639 = arith.index_cast %scan3A_575 : i32 to index
        %get3A_640 = arith.constant 16 : index
        %get3A_641 = tpu.vector_load %arg9[%get3A_639, %get3A_640] {strides = array<i32>} : memref<128x240xf32, #tpu.memory_space<vmem>>, vector<1x16xf32>,
        %get3A_642 = vector.shape_cast %get3A_641 : vector<1x16xf32> to vector<16xf32>
        %mul3A_643 = vector.broadcast %squeeze3A_631 : f32 to vector<16xf32>
        %mul3A_644 = arith.mulf %get3A_642, %mul3A_643 : vector<16xf32>
        %add3A_645 = arith.addf %mul3A_629, %mul3A_644 : vector<16xf32>
        %slice3A_646 = vector.extract_strided_slice %mul3A_615 {offsets = [1], sizes = [1], strides = [1]} : vector<16xf32> to vector<1xf32>
        %squeeze3A_647 = vector.extract %slice3A_646[0] : f32 from vector<1xf32>
        %get3A_648 = arith.index_cast %scan3A_575 : i32 to index
        %get3A_649 = arith.constant 32 : index
        %get3A_650 = tpu.vector_load %arg9[%get3A_648, %get3A_649] {strides = array<i32>} : memref<128x240xf32, #tpu.memory_space<vmem>>, vector<1x16xf32>,
        %get3A_651 = vector.shape_cast %get3A_650 : vector<1x16xf32> to vector<16xf32>
        %mul3A_652 = vector.broadcast %squeeze3A_647 : f32 to vector<16xf32>
        %mul3A_653 = arith.mulf %get3A_651, %mul3A_652 : vector<16xf32>
        %add3A_654 = arith.addf %add3A_638, %mul3A_653 : vector<16xf32>
        %get3A_655 = arith.index_cast %scan3A_575 : i32 to index
        %get3A_656 = arith.constant 48 : index
        %get3A_657 = tpu.vector_load %arg9[%get3A_655, %get3A_656] {strides = array<i32>} : memref<128x240xf32, #tpu.memory_space<vmem>>, vector<1x16xf32>,
        %get3A_658 = vector.shape_cast %get3A_657 : vector<1x16xf32> to vector<16xf32>
        %mul3A_659 = vector.broadcast %squeeze3A_647 : f32 to vector<16xf32>
        %mul3A_660 = arith.mulf %get3A_658, %mul3A_659 : vector<16xf32>
        %add3A_661 = arith.addf %add3A_645, %mul3A_660 : vector<16xf32>
        %slice3A_662 = vector.extract_strided_slice %mul3A_615 {offsets = [2], sizes = [1], strides = [1]} : vector<16xf32> to vector<1xf32>
        %squeeze3A_663 = vector.extract %slice3A_662[0] : f32 from vector<1xf32>
        %get3A_664 = arith.index_cast %scan3A_575 : i32 to index
        %get3A_665 = arith.constant 64 : index
        %get3A_666 = tpu.vector_load %arg9[%get3A_664, %get3A_665] {strides = array<i32>} : memref<128x240xf32, #tpu.memory_space<vmem>>, vector<1x16xf32>,
        %get3A_667 = vector.shape_cast %get3A_666 : vector<1x16xf32> to vector<16xf32>
        %mul3A_668 = vector.broadcast %squeeze3A_663 : f32 to vector<16xf32>
        %mul3A_669 = arith.mulf %get3A_667, %mul3A_668 : vector<16xf32>
        %add3A_670 = arith.addf %add3A_654, %mul3A_669 : vector<16xf32>
        %get3A_671 = arith.index_cast %scan3A_575 : i32 to index
        %get3A_672 = arith.constant 80 : index
        %get3A_673 = tpu.vector_load %arg9[%get3A_671, %get3A_672] {strides = array<i32>} : memref<128x240xf32, #tpu.memory_space<vmem>>, vector<1x16xf32>,
        %get3A_674 = vector.shape_cast %get3A_673 : vector<1x16xf32> to vector<16xf32>
        %mul3A_675 = vector.broadcast %squeeze3A_663 : f32 to vector<16xf32>
        %mul3A_676 = arith.mulf %get3A_674, %mul3A_675 : vector<16xf32>
        %add3A_677 = arith.addf %add3A_661, %mul3A_676 : vector<16xf32>
        %slice3A_678 = vector.extract_strided_slice %mul3A_615 {offsets = [3], sizes = [1], strides = [1]} : vector<16xf32> to vector<1xf32>
        %squeeze3A_679 = vector.extract %slice3A_678[0] : f32 from vector<1xf32>
        %get3A_680 = arith.index_cast %scan3A_575 : i32 to index
        %get3A_681 = arith.constant 96 : index
        %get3A_682 = tpu.vector_load %arg9[%get3A_680, %get3A_681] {strides = array<i32>} : memref<128x240xf32, #tpu.memory_space<vmem>>, vector<1x16xf32>,
        %get3A_683 = vector.shape_cast %get3A_682 : vector<1x16xf32> to vector<16xf32>
        %mul3A_684 = vector.broadcast %squeeze3A_679 : f32 to vector<16xf32>
        %mul3A_685 = arith.mulf %get3A_683, %mul3A_684 : vector<16xf32>
        %add3A_686 = arith.addf %add3A_670, %mul3A_685 : vector<16xf32>
        %get3A_687 = arith.index_cast %scan3A_575 : i32 to index
        %get3A_688 = arith.constant 112 : index
        %get3A_689 = tpu.vector_load %arg9[%get3A_687, %get3A_688] {strides = array<i32>} : memref<128x240xf32, #tpu.memory_space<vmem>>, vector<1x16xf32>,
        %get3A_690 = vector.shape_cast %get3A_689 : vector<1x16xf32> to vector<16xf32>
        %mul3A_691 = vector.broadcast %squeeze3A_679 : f32 to vector<16xf32>
        %mul3A_692 = arith.mulf %get3A_690, %mul3A_691 : vector<16xf32>
        %add3A_693 = arith.addf %add3A_677, %mul3A_692 : vector<16xf32>
        %slice3A_694 = vector.extract_strided_slice %mul3A_615 {offsets = [4], sizes = [1], strides = [1]} : vector<16xf32> to vector<1xf32>
        %squeeze3A_695 = vector.extract %slice3A_694[0] : f32 from vector<1xf32>
        %get3A_696 = arith.index_cast %scan3A_575 : i32 to index
        %get3A_697 = arith.constant 128 : index
        %get3A_698 = tpu.vector_load %arg9[%get3A_696, %get3A_697] {strides = array<i32>} : memref<128x240xf32, #tpu.memory_space<vmem>>, vector<1x16xf32>,
        %get3A_699 = vector.shape_cast %get3A_698 : vector<1x16xf32> to vector<16xf32>
        %mul3A_700 = vector.broadcast %squeeze3A_695 : f32 to vector<16xf32>
        %mul3A_701 = arith.mulf %get3A_699, %mul3A_700 : vector<16xf32>
        %add3A_702 = arith.addf %add3A_686, %mul3A_701 : vector<16xf32>
        %get3A_703 = arith.index_cast %scan3A_575 : i32 to index
        %get3A_704 = arith.constant 144 : index
        %get3A_705 = tpu.vector_load %arg9[%get3A_703, %get3A_704] {strides = array<i32>} : memref<128x240xf32, #tpu.memory_space<vmem>>, vector<1x16xf32>,
        %get3A_706 = vector.shape_cast %get3A_705 : vector<1x16xf32> to vector<16xf32>
        %mul3A_707 = vector.broadcast %squeeze3A_695 : f32 to vector<16xf32>
        %mul3A_708 = arith.mulf %get3A_706, %mul3A_707 : vector<16xf32>
        %add3A_709 = arith.addf %add3A_693, %mul3A_708 : vector<16xf32>
        %slice3A_710 = vector.extract_strided_slice %mul3A_615 {offsets = [5], sizes = [1], strides = [1]} : vector<16xf32> to vector<1xf32>
        %squeeze3A_711 = vector.extract %slice3A_710[0] : f32 from vector<1xf32>
        %get3A_712 = arith.index_cast %scan3A_575 : i32 to index
        %get3A_713 = arith.constant 160 : index
        %get3A_714 = tpu.vector_load %arg9[%get3A_712, %get3A_713] {strides = array<i32>} : memref<128x240xf32, #tpu.memory_space<vmem>>, vector<1x16xf32>,
        %get3A_715 = vector.shape_cast %get3A_714 : vector<1x16xf32> to vector<16xf32>
        %mul3A_716 = vector.broadcast %squeeze3A_711 : f32 to vector<16xf32>
        %mul3A_717 = arith.mulf %get3A_715, %mul3A_716 : vector<16xf32>
        %add3A_718 = arith.addf %add3A_702, %mul3A_717 : vector<16xf32>
        %get3A_719 = arith.index_cast %scan3A_575 : i32 to index
        %get3A_720 = arith.constant 176 : index
        %get3A_721 = tpu.vector_load %arg9[%get3A_719, %get3A_720] {strides = array<i32>} : memref<128x240xf32, #tpu.memory_space<vmem>>, vector<1x16xf32>,
        %get3A_722 = vector.shape_cast %get3A_721 : vector<1x16xf32> to vector<16xf32>
        %mul3A_723 = vector.broadcast %squeeze3A_711 : f32 to vector<16xf32>
        %mul3A_724 = arith.mulf %get3A_722, %mul3A_723 : vector<16xf32>
        %add3A_725 = arith.addf %add3A_709, %mul3A_724 : vector<16xf32>
        %swap3A_726 = arith.index_cast %scan3A_575 : i32 to index
        %swap3A_727 = arith.constant 0 : index
        %swap3A_728 = tpu.vector_load %arg10[%swap3A_726, %swap3A_727] {strides = array<i32>} : memref<128x48xf32, #tpu.memory_space<vmem>>, vector<1x16xf32>,
        %swap3A_729 = vector.shape_cast %swap3A_728 : vector<1x16xf32> to vector<16xf32>
        %swap3A_730 = vector.shape_cast %add3A_718 : vector<16xf32> to vector<1x16xf32>
        tpu.vector_store %arg10[%swap3A_726, %swap3A_727], %swap3A_730 {strides = array<i32>} : memref<128x48xf32, #tpu.memory_space<vmem>>, vector<1x16xf32>,
        %swap3A_731 = arith.index_cast %scan3A_575 : i32 to index
        %swap3A_732 = arith.constant 16 : index
        %swap3A_733 = tpu.vector_load %arg10[%swap3A_731, %swap3A_732] {strides = array<i32>} : memref<128x48xf32, #tpu.memory_space<vmem>>, vector<1x16xf32>,
        %swap3A_734 = vector.shape_cast %swap3A_733 : vector<1x16xf32> to vector<16xf32>
        %swap3A_735 = vector.shape_cast %add3A_725 : vector<16xf32> to vector<1x16xf32>
        tpu.vector_store %arg10[%swap3A_731, %swap3A_732], %swap3A_735 {strides = array<i32>} : memref<128x48xf32, #tpu.memory_space<vmem>>, vector<1x16xf32>,
        %mul3A_736 = arith.mulf %get3A_40, %select_n3A_600 : vector<16xf32>
        %swap3A_737 = arith.index_cast %scan3A_575 : i32 to index
        %swap3A_738 = arith.constant 32 : index
        %swap3A_739 = tpu.vector_load %arg10[%swap3A_737, %swap3A_738] {strides = array<i32>} : memref<128x48xf32, #tpu.memory_space<vmem>>, vector<1x16xf32>,
        %swap3A_740 = vector.shape_cast %swap3A_739 : vector<1x16xf32> to vector<16xf32>
        %swap3A_741 = vector.shape_cast %mul3A_736 : vector<16xf32> to vector<1x16xf32>
        tpu.vector_store %arg10[%swap3A_737, %swap3A_738], %swap3A_741 {strides = array<i32>} : memref<128x48xf32, #tpu.memory_space<vmem>>, vector<1x16xf32>,
      }
      %scan3A_78 = arith.constant 128 : i32
      "tpu.region"() ({
        %run_scoped3A = tpu.sem_alloc : memref<!tpu.dma_semaphore, #tpu.memory_space<semaphore_mem>>
        %dma_start3A_80 = arith.constant 0 : i32
        %dma_start3A_81 = tpu.memref_slice %arg12[%scan3A_49, %dma_start3A_80] : memref<25x128xi32, #tpu.memory_space<vmem>> -> memref<1x128xi32, #tpu.memory_space<vmem>>
        %dma_start3A_82 = tpu.memref_squeeze %dma_start3A_81 : memref<1x128xi32, #tpu.memory_space<vmem>> -> memref<128xi32, #tpu.memory_space<vmem>>
        %dma_start3A_83 = arith.constant 0 : i32
        %dma_start3A_84 = arith.constant 0 : i32
        %dma_start3A_85 = tpu.memref_slice %arg14[%dma_start3A_83, %dma_start3A_84] : memref<20480x48xf32, #tpu.memory_space<vmem_shared>> -> memref<20480x48xf32, #tpu.memory_space<vmem_shared>>
        tpu.enqueue_indirect_dma source(%arg10 : memref<128x48xf32, #tpu.memory_space<vmem>>) target(%dma_start3A_85 : memref<20480x48xf32, #tpu.memory_space<vmem_shared>>) offsets(%dma_start3A_82 : memref<128xi32, #tpu.memory_space<vmem>>) semaphore(%run_scoped3A : memref<!tpu.dma_semaphore, #tpu.memory_space<semaphore_mem>>) {add = true}
        %dma_wait3A_86 = arith.constant 0 : i32
        %dma_wait3A_87 = tpu.memref_slice %arg12[%scan3A_49, %dma_wait3A_86] : memref<25x128xi32, #tpu.memory_space<vmem>> -> memref<1x128xi32, #tpu.memory_space<vmem>>
        %dma_wait3A_88 = tpu.memref_squeeze %dma_wait3A_87 : memref<1x128xi32, #tpu.memory_space<vmem>> -> memref<128xi32, #tpu.memory_space<vmem>>
        %dma_wait3A_89 = arith.constant 0 : i32
        %dma_wait3A_90 = arith.constant 0 : i32
        %dma_wait3A_91 = tpu.memref_slice %arg14[%dma_wait3A_89, %dma_wait3A_90] : memref<20480x48xf32, #tpu.memory_space<vmem_shared>> -> memref<20480x48xf32, #tpu.memory_space<vmem_shared>>
        tpu.wait_indirect_dma semaphore(%run_scoped3A : memref<!tpu.dma_semaphore, #tpu.memory_space<semaphore_mem>>) src(%arg10 : memref<128x48xf32, #tpu.memory_space<vmem>>) dst(%dma_wait3A_91 : memref<20480x48xf32, #tpu.memory_space<vmem_shared>>)
        tpu.yield
      }) : () -> ()
      %scan3A_79 = arith.constant 0 : i32
      scf.yield %scan3A_79 : i32
    }
    %scan3A_47 = arith.constant 25 : i32
    %barrier3A_48 = arith.constant 0 : index
    tpu.barrier barrier_id(%barrier3A_48)
    "tpu.region"() ({
      %run_scoped3A = tpu.sem_alloc : memref<!tpu.dma_semaphore, #tpu.memory_space<semaphore_mem>>
      %dma_start3A = arith.constant 0 : i32
      %dma_start3A_49 = tpu.memref_slice %arg7[%arg0, %mul3A_9, %dma_start3A] : memref<2x20480x48xf32, #tpu.memory_space<hbm>> -> memref<1x1280x48xf32, #tpu.memory_space<hbm>>
      %dma_start3A_50 = tpu.memref_squeeze %dma_start3A_49 : memref<1x1280x48xf32, #tpu.memory_space<hbm>> -> memref<1280x48xf32, #tpu.memory_space<hbm>>
      %dma_start3A_51 = arith.constant 0 : i32
      %dma_start3A_52 = tpu.memref_slice %arg14[%mul3A_9, %dma_start3A_51] : memref<20480x48xf32, #tpu.memory_space<vmem_shared>> -> memref<1280x48xf32, #tpu.memory_space<vmem_shared>>
      tpu.enqueue_dma source(%dma_start3A_52 : memref<1280x48xf32, #tpu.memory_space<vmem_shared>>) target(%dma_start3A_50 : memref<1280x48xf32, #tpu.memory_space<hbm>>) target_semaphore(%run_scoped3A : memref<!tpu.dma_semaphore, #tpu.memory_space<semaphore_mem>>)
      %dma_wait3A = arith.constant 0 : i32
      %dma_wait3A_53 = tpu.memref_slice %arg7[%arg0, %mul3A_9, %dma_wait3A] : memref<2x20480x48xf32, #tpu.memory_space<hbm>> -> memref<1x1280x48xf32, #tpu.memory_space<hbm>>
      %dma_wait3A_54 = tpu.memref_squeeze %dma_wait3A_53 : memref<1x1280x48xf32, #tpu.memory_space<hbm>> -> memref<1280x48xf32, #tpu.memory_space<hbm>>
      %dma_wait3A_55 = arith.constant 0 : i32
      %dma_wait3A_56 = tpu.memref_slice %arg14[%mul3A_9, %dma_wait3A_55] : memref<20480x48xf32, #tpu.memory_space<vmem_shared>> -> memref<1280x48xf32, #tpu.memory_space<vmem_shared>>
      tpu.wait_dma2 semaphore(%run_scoped3A : memref<!tpu.dma_semaphore, #tpu.memory_space<semaphore_mem>>) src(%dma_wait3A_56 : memref<1280x48xf32, #tpu.memory_space<vmem_shared>>) dst(%dma_wait3A_54 : memref<1280x48xf32, #tpu.memory_space<hbm>>)
      tpu.yield
    }) : () -> ()
    return
  }
}

module attributes {stable_mosaic.version = 14 : i64} {
  func.func @_mm_body(%arg0: i32, %arg1: memref<1024x32xf32, #tpu.memory_space<vmem>>, %arg2: memref<32x224xf32, #tpu.memory_space<vmem>>, %arg3: memref<1024x16xf32, #tpu.memory_space<vmem>>, %arg4: memref<1024x240xf32, #tpu.memory_space<vmem>>) attributes {dimension_semantics = [#tpu.dimension_semantics<arbitrary>], iteration_bounds = array<i64: 20>, scalar_prefetch = 0 : i64, scratch_operands = 0 : i64, tpu.core_type = #tpu.core_type<tc>, window_params = [{transform_indices = @transform_0, window_bounds = array<i64: 1024, 32>}, {pipeline_mode = #tpu.pipeline_mode<synchronous>, transform_indices = @transform_1, window_bounds = array<i64: 32, 224>}, {transform_indices = @transform_2, window_bounds = array<i64: 1024, 16>}, {transform_indices = @transform_3, window_bounds = array<i64: 1024, 240>}]} {
    %get3A = arith.constant 0 : index
    %get3A_0 = arith.constant 0 : index
    %get3A_1 = vector.load %arg1[%get3A, %get3A_0] : memref<1024x32xf32, #tpu.memory_space<vmem>>, vector<1024x32xf32>
    %get3A_2 = arith.constant 0 : index
    %get3A_3 = arith.constant 0 : index
    %get3A_4 = vector.load %arg2[%get3A_2, %get3A_3] : memref<32x224xf32, #tpu.memory_space<vmem>>, vector<32x224xf32>
    %dot_general3A = arith.constant dense<0.000000e+00> : vector<1024x224xf32>
    %dot_general3A_5 = tpu.matmul %get3A_1, %get3A_4, %dot_general3A {dimension_numbers = #tpu.dot_dimension_numbers<[1], [0], [0], [1], [0, 0, 1, 1], [], []>, precision = #tpu.contract_precision<fp32>, transpose_lhs_hint = false} : vector<1024x32xf32>, vector<32x224xf32>, vector<1024x224xf32> -> vector<1024x224xf32>
    %get3A_6 = arith.constant 0 : index
    %get3A_7 = arith.constant 0 : index
    %get3A_8 = vector.load %arg3[%get3A_6, %get3A_7] : memref<1024x16xf32, #tpu.memory_space<vmem>>, vector<1024x16xf32>
    %concatenate3A = tpu.concatenate %dot_general3A_5, %get3A_8 in 1 : vector<1024x224xf32>, vector<1024x16xf32> -> vector<1024x240xf32>
    %swap3A = arith.constant 0 : index
    %swap3A_9 = arith.constant 0 : index
    %swap3A_10 = vector.load %arg4[%swap3A, %swap3A_9] : memref<1024x240xf32, #tpu.memory_space<vmem>>, vector<1024x240xf32>
    tpu.vector_store %arg4[%swap3A, %swap3A_9], %concatenate3A {strides = array<i32>} : memref<1024x240xf32, #tpu.memory_space<vmem>>, vector<1024x240xf32>,
    return
  }
  func.func @transform_0(%arg0: i32) -> (i32, i32) {
    %c0_i32 = arith.constant 0 : i32
    %c0_i32_0 = arith.constant 0 : i32
    return %arg0, %c0_i32 : i32, i32
  }
  func.func @transform_1(%arg0: i32) -> (i32, i32) {
    %c0_i32 = arith.constant 0 : i32
    %c0_i32_0 = arith.constant 0 : i32
    %c0_i32_1 = arith.constant 0 : i32
    return %c0_i32, %c0_i32_0 : i32, i32
  }
  func.func @transform_2(%arg0: i32) -> (i32, i32) {
    %c0_i32 = arith.constant 0 : i32
    %c0_i32_0 = arith.constant 0 : i32
    return %arg0, %c0_i32 : i32, i32
  }
  func.func @transform_3(%arg0: i32) -> (i32, i32) {
    %c0_i32 = arith.constant 0 : i32
    %c0_i32_0 = arith.constant 0 : i32
    return %arg0, %c0_i32 : i32, i32
  }
}

module attributes {stable_mosaic.version = 14 : i64} {
  func.func @_fin_body(%arg0: i32, %arg1: memref<2x1000x48xf32, #tpu.memory_space<vmem>>, %arg2: memref<1000x32xf32, #tpu.memory_space<vmem>>) attributes {dimension_semantics = [#tpu.dimension_semantics<arbitrary>], iteration_bounds = array<i64: 20>, scalar_prefetch = 0 : i64, scratch_operands = 0 : i64, tpu.core_type = #tpu.core_type<tc>, window_params = [{transform_indices = @transform_0, window_bounds = array<i64: 2, 1000, 48>}, {transform_indices = @transform_1, window_bounds = array<i64: 1000, 32>}]} {
    %get3A = arith.constant 0 : index
    %get3A_0 = arith.constant 0 : index
    %get3A_1 = arith.constant 0 : index
    %get3A_2 = vector.load %arg1[%get3A, %get3A_0, %get3A_1] : memref<2x1000x48xf32, #tpu.memory_space<vmem>>, vector<1x1000x48xf32>
    %get3A_3 = vector.shape_cast %get3A_2 : vector<1x1000x48xf32> to vector<1000x48xf32>
    %get3A_4 = arith.constant 1 : index
    %get3A_5 = arith.constant 0 : index
    %get3A_6 = arith.constant 0 : index
    %get3A_7 = vector.load %arg1[%get3A_4, %get3A_5, %get3A_6] : memref<2x1000x48xf32, #tpu.memory_space<vmem>>, vector<1x1000x48xf32>
    %get3A_8 = vector.shape_cast %get3A_7 : vector<1x1000x48xf32> to vector<1000x48xf32>
    %add3A = arith.addf %get3A_3, %get3A_8 : vector<1000x48xf32>
    %slice3A = vector.extract_strided_slice %add3A {offsets = [0, 32], sizes = [1000, 1], strides = [1, 1]} : vector<1000x48xf32> to vector<1000x1xf32>
    %max3A = arith.constant 1.000000e+00 : f32
    %max3A_9 = vector.broadcast %max3A : f32 to vector<1000x1xf32>
    %max3A_10 = arith.maximumf %slice3A, %max3A_9 : vector<1000x1xf32>
    %slice3A_11 = vector.extract_strided_slice %add3A {offsets = [0, 0], sizes = [1000, 32], strides = [1, 1]} : vector<1000x48xf32> to vector<1000x32xf32>
    %div3A = vector.broadcast %max3A_10 : vector<1000x1xf32> to vector<1000x32xf32>
    %div3A_12 = arith.divf %slice3A_11, %div3A : vector<1000x32xf32>
    %swap3A = arith.constant 0 : index
    %swap3A_13 = arith.constant 0 : index
    %swap3A_14 = vector.load %arg2[%swap3A, %swap3A_13] : memref<1000x32xf32, #tpu.memory_space<vmem>>, vector<1000x32xf32>
    tpu.vector_store %arg2[%swap3A, %swap3A_13], %div3A_12 {strides = array<i32>} : memref<1000x32xf32, #tpu.memory_space<vmem>>, vector<1000x32xf32>,
    return
  }
  func.func @transform_0(%arg0: i32) -> (i32, i32, i32) {
    %c0_i32 = arith.constant 0 : i32
    %c0_i32_0 = arith.constant 0 : i32
    %c0_i32_1 = arith.constant 0 : i32
    return %c0_i32, %arg0, %c0_i32_0 : i32, i32, i32
  }
  func.func @transform_1(%arg0: i32) -> (i32, i32) {
    %c0_i32 = arith.constant 0 : i32
    %c0_i32_0 = arith.constant 0 : i32
    return %arg0, %c0_i32 : i32, i32
  }
}

</mosaic_0001>

<sc_bundles>
// kernel: _run.5.cloned.1.call-start
scs
__scs_entry_jumppad:
0x0: {  	(pc) =	sbr.rel $0x88, $3  }
0x1: {  	(tag) =	ssettag $0x0;
	lr =	simm.s32 $0x1  }
0x2: {  	[smem:$0x3F9A] =	sst lr;
	_ =	strace $0xD0000000  }
0x3: {  	_ = 	snop  }
0x4: {  	_ = 	snop  }
0x5: {  	_ = 	snop  }
0x6: {  	_ = 	snop  }
0x7: {  	_ = 	snop  }
__scs_overlays_trampoline_lowered:
0x8: {  	[smem:$0x3FA9] =	sst s0  }
0x9: {  	[smem:$0x3FAA] =	sst s1  }
0xa: {  	[smem:$0x3FAB] =	sst s2  }
0xb: {  	[smem:$0x3FAC] =	sst s3  }
0xc: {  	[smem:$0x3FAD] =	sst s4  }
0xd: {  	[smem:$0x3FAE] =	sst s5  }
0xe: {  	[smem:$0x3FAF] =	sst s6  }
0xf: {  	[smem:$0x3FB0] =	sst s7  }
0x10: {  	[smem:$0x3FB1] =	sst s8  }
0x11: {  	[smem:$0x3FB2] =	sst s9;
	s0 =	simm.s32 @!p0 $0x0  }
0x12: {  	s1 =	sld [smem:$0x3F98];
	s0 =	simm.s32 @p0 $0x1  }
0x13: {  	[smem:$0x3FB3] =	sst s0;
	s0 =	simm.s32 @!p1 $0x0  }
0x14: {  	s2 =	sld [smem:$0x3F97];
	s0 =	simm.s32 @p1 $0x1  }
0x15: {  	[smem:$0x3FB4] =	sst s0;
	s0 =	simm.s32 @!p2 $0x0  }
0x16: {  	s3 =	sld [smem:$0x3FDB];
	s0 =	simm.s32 @p2 $0x1  }
0x17: {  	s4 =	simm.s32 $0x1BF5;
	[smem:$0x3FB6] =	sst s0  }
0x18: {  	s0 =	sld [smem:$0x3F99];
	_ =	swait.ge [sflag:s4], $0x0  }
0x19: {  	s7 =	sld [smem:$0x3F9A]  }
0x1a: {  	s8 =	sadd.s32 $0xFFFFE003, lr  }
0x1b: {  	s9 =	sadd.s32 $0xFFFFFEF7, lr;
	s5 =	simm.s32 $0xFFFFFFFF;
	p2 =	slt.u32 s8, $0xFFFFF086  }
0x1c: {  	p1 =	slt.u32 s9, $0xF7A;
	s5 =	simm.s32 @!p2 $0x0  }
0x1d: {  	s5 =	simm.s32 @p1 $0x1;
	p0 =	seq.s32 s7, s2  }
0x1e: {  	s7 =	smul.u32 @!p0 $0xF7A, s2;
	p2 =	seq.s32 @!p0 s5, $0x0  }
0x1f: {  	s9 =	smul.u32 $0xF7A, s1;
	s8 =	simm.s32 @!p0 $0x1BF5;
	p2 =	por !p2, p0  }
0x20: {  	[sflag:s8] =	ssyncset.s32 @!p0 $0xFFFFF086;
	s6 =	sadd.s32 @!p0 s3, s7;
	s7 =	simm.s32 @!p0 $0x108  }
0x21: {  	s3 =	sadd.s32 s3, s9;
	s6 =	sadd.s32 @!p0 $0x88, s6;
	s7 =	simm.s32 @p2 $0x1082  }
0x22: {  	[simem:s7], [sflag:s8] =	dma.local @!p0 [hbm:s6], $0xF7A  }
0x23: {  	s9 =	sor.u32 $0xD0000000, s2;
	s6 =	simm.s32 $0x108;
	_ =	swait.ge @!p0 [sflag:s8], $0x0  }
0x24: {  	s3 =	sadd.s32 $0x88, s3;
	s6 =	simm.s32 @!p1 $0x1082;
	[sflag:s4] =	ssyncset.s32 $0xFFFFF086  }
0x25: {  	[simem:s6], [sflag:s4] =	dma.local [hbm:s3], $0xF7A  }
0x26: {  	[smem:$0x3F9A] =	sst s1;
	(tag) =	ssettag s2;
	_ =	strace s9  }
0x27: {  	s1 =	sld [smem:$0x3FAA]  }
0x28: {  	s2 =	sld [smem:$0x3FAB]  }
0x29: {  	s4 =	sld [smem:$0x3FAD]  }
0x2a: {  	p0 =	seq.s32 s5, $0x0;
	s5 =	sld [smem:$0x3FAE]  }
0x2b: {  	s6 =	sld [smem:$0x3FAF]  }
0x2c: {  	s7 =	sld [smem:$0x3FB0]  }
0x2d: {  	s3 =	simm.s32 $0x108;
	s8 =	sld [smem:$0x3FB1]  }
0x2e: {  	s3 =	simm.s32 @!p0 $0x1082;
	s9 =	sld [smem:$0x3FB2]  }
0x2f: {  	lr =	sadd.s32 s0, s3;
	s0 =	sld [smem:$0x3FA9]  }
0x30: {  	s3 =	sld [smem:$0x3FAC]  }
0x31: {  	[smem:$0x3FB5] =	sst s10  }
0x32: {  	s10 =	sld [smem:$0x3FB3];
	_ =	sdelay $0x3  }
0x33: {  	p0 =	seq.s32 s10, $0x1;
	s10 =	sld [smem:$0x3FB5];
	_ =	sdelay $0x3  }
0x34: {  	[smem:$0x3FB5] =	sst s10  }
0x35: {  	s10 =	sld [smem:$0x3FB4];
	_ =	sdelay $0x3  }
0x36: {  	p1 =	seq.s32 s10, $0x1;
	s10 =	sld [smem:$0x3FB5];
	_ =	sdelay $0x3  }
0x37: {  	[smem:$0x3FB5] =	sst s10  }
0x38: {  	s10 =	sld [smem:$0x3FB6]  }
0x39: {  	_ = 	snop;
	(pc) =	sbr.ind lr, $3  }
0x3a: {  	_ = 	snop  }
0x3b: {  	_ = 	snop  }
0x3c: {  	p2 =	seq.s32 s10, $0x1;
	s10 =	sld [smem:$0x3FB5]  }
0x3d: {  	_ =	shalt  }
0x3e: {  	_ =	shalt  }
0x3f: {  	_ =	shalt  }
0x40: {  	_ =	shalt  }
0x41: {  	_ =	shalt  }
0x42: {  	_ =	shalt  }
0x43: {  	_ =	shalt  }
0x44: {  	_ =	shalt  }
0x45: {  	_ =	shalt  }
0x46: {  	_ =	shalt  }
0x47: {  	_ =	shalt  }
0x48: {  	_ =	shalt  }
0x49: {  	_ =	shalt  }
0x4a: {  	_ =	shalt  }
0x4b: {  	_ =	shalt  }
0x4c: {  	_ =	shalt  }
0x4d: {  	_ =	shalt  }
0x4e: {  	_ =	shalt  }
0x4f: {  	_ =	shalt  }
0x50: {  	_ =	shalt  }
0x51: {  	_ =	shalt  }
0x52: {  	_ =	shalt  }
0x53: {  	_ =	shalt  }
0x54: {  	_ =	shalt  }
0x55: {  	_ =	shalt  }
0x56: {  	_ =	shalt  }
0x57: {  	_ =	shalt  }
0x58: {  	_ =	shalt  }
0x59: {  	_ =	shalt  }
0x5a: {  	_ =	shalt  }
0x5b: {  	_ =	shalt  }
0x5c: {  	_ =	shalt  }
0x5d: {  	_ =	shalt  }
0x5e: {  	_ =	shalt  }
0x5f: {  	_ =	shalt  }
0x60: {  	_ =	shalt  }
0x61: {  	_ =	shalt  }
0x62: {  	_ =	shalt  }
0x63: {  	_ =	shalt  }
0x64: {  	_ =	shalt  }
0x65: {  	_ =	shalt  }
0x66: {  	_ =	shalt  }
0x67: {  	_ =	shalt  }
0x68: {  	_ =	shalt  }
0x69: {  	_ =	shalt  }
0x6a: {  	_ =	shalt  }
0x6b: {  	_ =	shalt  }
0x6c: {  	_ =	shalt  }
0x6d: {  	_ =	shalt  }
0x6e: {  	_ =	shalt  }
0x6f: {  	_ =	shalt  }
0x70: {  	_ =	shalt  }
0x71: {  	_ =	shalt  }
0x72: {  	_ =	shalt  }
0x73: {  	_ =	shalt  }
0x74: {  	_ =	shalt  }
0x75: {  	_ =	shalt  }
0x76: {  	_ =	shalt  }
0x77: {  	_ =	shalt  }
0x78: {  	_ =	shalt  }
0x79: {  	_ =	shalt  }
0x7a: {  	_ =	shalt  }
0x7b: {  	_ =	shalt  }
0x7c: {  	_ =	shalt  }
0x7d: {  	_ =	shalt  }
0x7e: {  	_ =	shalt  }
0x7f: {  	_ =	shalt  }
0x80: {  	_ =	shalt  }
0x81: {  	_ =	shalt  }
0x82: {  	_ =	shalt  }
0x83: {  	_ =	shalt  }
0x84: {  	_ =	shalt  }
0x85: {  	_ =	shalt  }
0x86: {  	_ =	shalt  }
0x87: {  	_ =	shalt  }
.Lfunc_end0:
.L_simem_size_0:
called_computation_lowered:
.L_overlay_start_0:
0x88: {  	s2 =	sld [smem:$0x3FD9]  }
0x89: {  	s3 =	sld [smem:$0x3FFE];
	_ =	sdelay $0x1  }
0x8a: {  	s1 =	srdreg.scid  }
0x8b: {  	s0 =	sand.u32 $0x1, s1  }
0x8c: {  	s17 =	sshll.u32 s0, $0xA;
	s2 =	sadd.s32 s3, s2  }
0x8d: {  	s2 =	sadd.s32 s2, s17  }
0x8e: {  	[smem:$0x3FC1] =	sst s2  }
0x8f: {  	_ = 	snop  }
0x90: {  	s2 =	sld [smem:$0x3FD0];
	(tm) =	ssettm $0x1  }
0x91: {  	s18 =	sld [smem:$0x3FFB];
	_ =	sdelay $0x3  }
0x92: {  	_ =	strace s18  }
0x93: {  	s3 =	sld [smem:$0x3FFC];
	_ =	sdelay $0x3  }
0x94: {  	_ =	strace s3  }
0x95: {  	s3 =	sld [smem:$0x3FFD];
	_ =	sdelay $0x3  }
0x96: {  	_ =	strace s3  }
0x97: {  	_ =	strace $0x8FFFFFFF  }
0x98: {  	s19 =	sld [smem:$0x3FDB];
	_ =	sdelay $0x1  }
0x99: {  	s4 =	simm.s32 $_scs_section_size  }
0x9a: {  	s5 =	simm.s32 $_size__tile_overlayer_lowered;
	s6 =	simm.s32 $_tile_overlayer_lowered  }
0x9b: {  	s22 =	simm.s32 $0x1BFF;
	s21 =	sshll.u32 s6, $0x1;
	s3 =	sadd.s32 s4, s19  }
0x9c: {  	s7 =	simm.s32 $0x0;
	s20 =	sshll.u32 s5, $0x1;
	s5 =	sadd.s32 s21, s3  }
0x9d: {  	[timem:s7], [sflag:s22] =	dma.local [hbm:s5], s20  }
0x9e: {  	_ =	swait.ge [sflag:s22], s20  }
0x9f: {  	s4 =	ssub.s32 $0x0, s20;
	[sflag:s22] =	ssyncset.done $0x0  }
0xa0: {  	[sflag:s22] =	ssyncadd.s32 s4;
	_ =	sdelay $0x1  }
0xa1: {  	s23 =	simm.s32 $0x1B8B  }
0xa2: {  	_ =	swait.ge [sflag:s23], $0x1  }
0xa3: {  	[sflag:s23] =	ssyncset.done $0x0  }
0xa4: {  	s25 =	simm.s32 $0x1B8E;
	s24 =	sld [smem:$0x3FFE];
	[sflag:s23] =	ssyncadd.s32 $0xFFFFFFFF  }
0xa5: {  	s26 =	simm.s32 $execute0_lowered;
	[smem:$0x3FD2] =	sst s25  }
0xa6: {  	s5 =	sshll.u32 s26, $0x1;
	_ =	strace $0x80000046;
	[dreg:$0x1] =	wrdreg $0xFFFFFFFF  }
0xa7: {  	s28 =	simm.s32 $_size_execute0_lowered;
	s3 =	sadd.s32 s3, s5;
	[dreg:$0x0] =	wrdreg $0x0  }
0xa8: {  	s5 =	sshll.u32 s28, $0x1;
	[dreg:$0x2] =	wrdreg s3  }
0xa9: {  	[dreg:$0x3] =	wrdreg s5  }
0xaa: {  	[dreg:$0x4] =	wrdreg $0xC0  }
0xab: {  	_ =	task [dreg:s7], $0x5FFFF  }
0xac: {  	[dreg:$0x1] =	wrdreg $0xFFFFFFFF  }
0xad: {  	[dreg:$0x0] =	wrdreg $0x60  }
0xae: {  	[dreg:$0x2] =	wrdreg s24  }
0xaf: {  	[dreg:$0x3] =	wrdreg s2  }
0xb0: {  	[dreg:$0x4] =	wrdreg $0xB1800  }
0xb1: {  	[dreg:$0x5] =	wrdreg $0x9  }
0xb2: {  	_ =	task.clear_ibuf [dreg:s7], $0x6FFFF;
	_ =	strace $0x90000046  }
0xb3: {  	s29 =	simm.s32 $0x9;
	_ =	strace $0x80000048  }
0xb4: {  	_ =	swait.ge [sflag:s29], $0x1  }
0xb5: {  	[sflag:s29] =	ssyncadd.s32 $0xFFFFFFFF  }
0xb6: {  	_ =	strace $0x90000048  }
0xb7: {  	_ =	sfence  }
0xb8: {  	s30 =	sld [smem:$0x0];
	_ =	sdelay $0x2  }
0xb9: {  	s31 =	sshll.u32 s1, $0xD;
	s1 =	sshrl.u32 s1, $0x2  }
0xba: {  	s3 =	sand.u32 $0x4000, s31;
	s1 =	sadd.s32 s1, s30  }
0xbb: {  	s0 =	sor.u32 s3, s0;
	s1 =	sshll.u32 s1, $0x11  }
0xbc: {  	s0 =	sor.u32 s1, s0  }
0xbd: {  	s0 =	sadd.s32 $0x8F2B, s0  }
0xbe: {  	[sflag:s0] =	ssyncadd.remote.s32 $0x1  }
0xbf: {  	_ =	sfence.sel $0xFFFF  }
0xc0: {  	[dreg:$0x0] =	wrdreg $0xFFFFFFFF;
	(pc) =	sbr.abs _section_cstart, $3  }
0xc1: {  	[dreg:$0x1] =	wrdreg $0xFFFFFFFF  }
0xc2: {  	_ =	task.clear_ibuf [dreg:s7], $0x2FFFF;
	_ =	strace $0x9FFFFFFF  }
0xc3: {  	(tm) =	ssettm $0x7FFFFFFF  }
tec
execute0_lowered:
.L_overlay_start_1:
0x0: {  	(tag) =	ssettag $0x1  }
0x1: {  	s10 =	rddreg [dreg:$0x0]  }
0x2: {  	s2 =	rddreg [dreg:$0x1]  }
0x3: {  	s3 =	rddreg [dreg:$0x2];
	s0 =	srdreg.scid  }
0x4: {  	s5 =	simm.s32 $0x0;
	s9 =	stileid.u32;
	s21 =	simm.s32 $0x8000  }
0x5: {  	s22 =	simm.s32 $0x3;
	s28 =	simm.s32 $0x80;
	s29 =	simm.s32 $0x800  }
0x6: {  	s30 =	simm.s32 $0x1;
	s31 =	simm.s32 $0x2;
	s0 =	sand.u32 $0x1, s0  }
0x7: {  	[smem:$0x7FF] =	sst s5;
	s7 =	smul.u32 $0xF000, s9;
	s6 =	sadd.s32 $0xA6600, s10  }
0x8: {  	s1 =	smul.u32 $0xF0000, s0;
	s4 =	sshll.u32 s0, $0x4;
	s0 =	ssub.s32 $0x2, s0  }
0x9: {  	_ =	strace $0x80000047;
	s4 =	sor.u32 s9, s4;
	s8 =	sshrl.u32 s0, $0x1  }
0xa: {  	s9 =	smul.u32 $0x3C000, s9;
	s26 =	sadd.s32 s7, s3;
	s1 =	sadd.s32 s7, s1  }
0xb: {  	s4 =	smul.u32 $0x190, s4;
	s0 =	ssub.s32 s0, s8;
	s1 =	sshrl.u32 s1, $0x3  }
0xc: {  	s25 =	sshrl.u32 s9, $0x2;
	s11 =	smax.u32 s0, $0x1;
	s0 =	simm.s32 $0x0  }
0xd: {  	s4 =	sadd.s32 s4, s10;
	s1 =	sadd.s32 s1, s10;
	s10 =	sadd.s32 s25, s3  }
0xe: {  	s25 =	sshrl.u32 s26, $0x3;
	s24 =	sadd.s32 $0x3400, s4;
	s4 =	sadd.s32 $0x200, s4  }
0xf: {  	s9 =	sadd.s32 $0x6600, s1;
	s12 =	sadd.s32 $0x1800, s10;
	s13 =	sadd.s32 $0x3000, s10  }
0x10: {  	s14 =	sadd.s32 $0x4800, s10;
	s15 =	sadd.s32 $0x6000, s10;
	s16 =	sadd.s32 $0x7800, s10  }
0x11: {  	s17 =	sadd.s32 $0x9000, s10;
	s18 =	sadd.s32 $0xA800, s10;
	[dreg:$0x4] =	wrdreg s24  }
0x12: {  	v0 =	vimm.f32 $0.0e+00;
	s19 =	sadd.s32 $0xC000, s10;
	s20 =	sadd.s32 $0xD800, s10;
	[dreg:$0x5] =	wrdreg s4  }
.LBB2_1:
0x13: {  	s1 =	simm.s32 $0xC0;
	s4 =	simm.s32 $0x0  }
.LBB2_2:
0x14: {  	p0 =	sne.s32 s1, $0x5F40;
	[tilespmem:s4+$0x8020] =	vst v0;
	s7 =	smov.u32 s1;
	s1 =	sadd.s32 $0xC0, s1  }
.Ltmp0:
0x15: {  	[tilespmem:s4+$0x8000] =	vst v0;
	(pc) =	sbr.rel @p0 .LBB2_2-.Ltmp0, $2  }
0x16: {  	[tilespmem:s4+$0x8010] =	vst v0;
	_ =	sdelay $0x2  }
0x17: {  	s4 =	sshra.s32 s7, $0x2  }
0x18: {  	[tilespmem:s4+$0x8020] =	vst v0  }
0x19: {  	[tilespmem:s4+$0x8000] =	vst v0  }
0x1a: {  	[tilespmem:s4+$0x8010] =	vst v0  }
0x1b: {  	[spmem:s10] =	stream.linear.scatter [tilespmem:s21], [sflag:$0x3], $0x1800, $0x38;
	[tilespmem:$0x1A180] =	vst v63  }
0x1c: {  	_ =	swait.ge [sflag:s22], $0x1800  }
0x1d: {  	[sflag:s22] =	ssyncset.done $0x0  }
0x1e: {  	[sflag:s22] =	ssyncadd.s32 $0xFFFFE800  }
0x1f: {  	[spmem:s12] =	stream.linear.scatter [tilespmem:s21], [sflag:$0x3], $0x1800, $0x38;
	[tilespmem:$0x1A180] =	vst v63  }
0x20: {  	_ =	swait.ge [sflag:s22], $0x1800  }
0x21: {  	[sflag:s22] =	ssyncset.done $0x0  }
0x22: {  	[sflag:s22] =	ssyncadd.s32 $0xFFFFE800  }
0x23: {  	[spmem:s13] =	stream.linear.scatter [tilespmem:s21], [sflag:$0x3], $0x1800, $0x38;
	[tilespmem:$0x1A180] =	vst v63  }
0x24: {  	_ =	swait.ge [sflag:s22], $0x1800  }
0x25: {  	[sflag:s22] =	ssyncset.done $0x0  }
0x26: {  	[sflag:s22] =	ssyncadd.s32 $0xFFFFE800  }
0x27: {  	[spmem:s14] =	stream.linear.scatter [tilespmem:s21], [sflag:$0x3], $0x1800, $0x38;
	[tilespmem:$0x1A180] =	vst v63  }
0x28: {  	_ =	swait.ge [sflag:s22], $0x1800  }
0x29: {  	[sflag:s22] =	ssyncset.done $0x0  }
0x2a: {  	[sflag:s22] =	ssyncadd.s32 $0xFFFFE800  }
0x2b: {  	[spmem:s15] =	stream.linear.scatter [tilespmem:s21], [sflag:$0x3], $0x1800, $0x38;
	[tilespmem:$0x1A180] =	vst v63  }
0x2c: {  	_ =	swait.ge [sflag:s22], $0x1800  }
0x2d: {  	[sflag:s22] =	ssyncset.done $0x0  }
0x2e: {  	[sflag:s22] =	ssyncadd.s32 $0xFFFFE800  }
0x2f: {  	[spmem:s16] =	stream.linear.scatter [tilespmem:s21], [sflag:$0x3], $0x1800, $0x38;
	[tilespmem:$0x1A180] =	vst v63  }
0x30: {  	_ =	swait.ge [sflag:s22], $0x1800  }
0x31: {  	[sflag:s22] =	ssyncset.done $0x0  }
0x32: {  	[sflag:s22] =	ssyncadd.s32 $0xFFFFE800  }
0x33: {  	[spmem:s17] =	stream.linear.scatter [tilespmem:s21], [sflag:$0x3], $0x1800, $0x38;
	[tilespmem:$0x1A180] =	vst v63  }
0x34: {  	_ =	swait.ge [sflag:s22], $0x1800  }
0x35: {  	[sflag:s22] =	ssyncset.done $0x0  }
0x36: {  	[sflag:s22] =	ssyncadd.s32 $0xFFFFE800  }
0x37: {  	[spmem:s18] =	stream.linear.scatter [tilespmem:s21], [sflag:$0x3], $0x1800, $0x38;
	[tilespmem:$0x1A180] =	vst v63  }
0x38: {  	_ =	swait.ge [sflag:s22], $0x1800  }
0x39: {  	[sflag:s22] =	ssyncset.done $0x0  }
0x3a: {  	[sflag:s22] =	ssyncadd.s32 $0xFFFFE800  }
0x3b: {  	[spmem:s19] =	stream.linear.scatter [tilespmem:s21], [sflag:$0x3], $0x1800, $0x38;
	[tilespmem:$0x1A180] =	vst v63  }
0x3c: {  	_ =	swait.ge [sflag:s22], $0x1800  }
0x3d: {  	[sflag:s22] =	ssyncset.done $0x0  }
0x3e: {  	[sflag:s22] =	ssyncadd.s32 $0xFFFFE800  }
0x3f: {  	[spmem:s20] =	stream.linear.scatter [tilespmem:s21], [sflag:$0x3], $0x1800, $0x38;
	[tilespmem:$0x1A180] =	vst v63  }
0x40: {  	_ =	swait.ge [sflag:s22], $0x1800  }
0x41: {  	[sflag:s22] =	ssyncset.done $0x0  }
0x42: {  	[sflag:s22] =	ssyncadd.s32 $0xFFFFE800  }
0x43: {  	s23 =	simm.s32 $0x0;
	s26 =	simm.s32 $0xB100;
	s1 =	rddreg [dreg:$0x0]  }
0x44: {  	[tilespmem:s26], [sflag:$0x3] =	stream.linear.gather [hbm4b:s1+s23], $0x80, $0x38;
	[tilespmem:$0x1A180] =	vst v63  }
0x45: {  	_ =	swait.ge [sflag:s22], $0x80  }
0x46: {  	[sflag:s22] =	ssyncset.done $0x0  }
0x47: {  	s8 =	simm.s32 $0x9800;
	s7 =	rddreg [dreg:$0x4];
	[sflag:s22] =	ssyncadd.s32 $0xFFFFFF80  }
0x48: {  	[tilespmem:s8], [sflag:$0x3] =	stream.linear.gather [hbm4b:s7+s23], $0xC80, $0x38;
	[tilespmem:$0x1A180] =	vst v63  }
0x49: {  	_ =	swait.ge [sflag:s22], $0xC80  }
0x4a: {  	[sflag:s22] =	ssyncset.done $0x0  }
0x4b: {  	s26 =	simm.s32 $0xA480;
	s24 =	rddreg [dreg:$0x5];
	[sflag:s22] =	ssyncadd.s32 $0xFFFFF380  }
0x4c: {  	[tilespmem:s26], [sflag:$0x3] =	stream.linear.gather [hbm4b:s24+s23], $0xC80, $0x38;
	[tilespmem:$0x1A180] =	vst v63  }
0x4d: {  	_ =	swait.ge [sflag:s22], $0xC80  }
0x4e: {  	[sflag:s22] =	ssyncset.done $0x0  }
0x4f: {  	[sflag:s22] =	ssyncadd.s32 $0xFFFFF380  }
0x50: {  	v1 =	vld [tilespmem:$0xB100]  }
0x51: {  	v2 =	vld [tilespmem:$0xB110]  }
0x52: {  	v3 =	vld [tilespmem:$0xB120]  }
0x53: {  	v4 =	vld [tilespmem:$0xB130]  }
0x54: {  	v5 =	vld [tilespmem:$0xB140];
	[bflag:$0x0] =	sbarrier.arrive $0xFFFF  }
.LBB2_4:
0x55: {  	s1 =	sshll.u32 s23, $0x7  }
0x56: {  	s24 =	sadd.s32 $0xA480, s1  }
0x57: {  	[tilespmem:s5], [sflag:$0x1] =	stream.indirect.gather [hbm4b:s2+s28], $0x10, s24, s28, $0xb8;
	[tilespmem:$0x1A180] =	vst v63  }
0x58: {  	s1 =	sadd.s32 $0x9800, s1  }
0x59: {  	[tilespmem:s29], [sflag:$0x2] =	stream.indirect.gather [hbm4b:s6+s28], $0xF0, s1, s28, $0xb8;
	[tilespmem:$0x1A180] =	vst v63  }
0x5a: {  	_ =	swait.ge [sflag:s30], $0x800  }
0x5b: {  	[sflag:s30] =	ssyncset.done $0x0  }
0x5c: {  	[sflag:s30] =	ssyncadd.s32 $0xFFFFF800  }
0x5d: {  	_ =	swait.ge [sflag:s31], $0x7800  }
0x5e: {  	[sflag:s31] =	ssyncset.done $0x0  }
0x5f: {  	s26 =	simm.s32 $0x9E0;
	[sflag:s31] =	ssyncadd.s32 $0xFFFF8800  }
0x60: {  	s1 =	simm.s32 $0x20;
	v6 =	vld [tilespmem:s26+$0xFFFFFF00]  }
0x61: {  	v7 =	vld [tilespmem:s1+$0xFFFFFFE0];
	_ =	sdelay $0x4  }
0x62: {  	v6 =	vsub.f32 v7, v6;
	_ =	sdelay $0x1  }
0x63: {  	v7 =	vbroadcast v6, $0x0;
	v8 =	vbroadcast v6, $0x1;
	_ =	sdelay $0x1  }
0x64: {  	v7 =	vmul.f32 v7, v1;
	v8 =	vmul.f32 v8, v2;
	_ =	sdelay $0x1  }
0x65: {  	v7 =	vadd.f32 v8, v7  }
0x66: {  	v6 =	vand.u32 $0x7FFFFFFF, v6  }
0x67: {  	v8 =	vbroadcast v6, $0x0;
	v6 =	vbroadcast v6, $0x1;
	v7 =	vadd.f32 v7, v3;
	_ =	sdelay $0x1  }
0x68: {  	v10 =	vld [tilespmem:s26+$0xFFFFFE20];
	v6 =	vmax.f32 v8, v6;
	v7 =	vmax.f32 v7, $0.0e+00  }
0x69: {  	v11 =	vld [tilespmem:s26+$0xFFFFFEF0];
	vm0 =	vlt.f32 v6, $2.000000030e-01;
	v6 =	vadd.f32 v7, v4  }
0x6a: {  	v9 =	vsel vm0, $0x3F800000, v0;
	v7 =	vld [tilespmem:s26+$0xFFFFFEE0]  }
0x6b: {  	v8 =	vld [tilespmem:s26+$0xFFFFFE30];
	v6 =	vmul.f32 v6, v9  }
0x6c: {  	v12 =	vld [tilespmem:s26+$0xFFFFFE40]  }
0x6d: {  	v15 =	vld [tilespmem:s26+$0xFFFFFE50];
	v13 =	vbroadcast v6, $0x6;
	v14 =	vbroadcast v6, $0x0  }
0x6e: {  	v17 =	vld [tilespmem:s26+$0xFFFFFE60];
	v16 =	vbroadcast v6, $0x1  }
0x6f: {  	v18 =	vld [tilespmem:s26+$0xFFFFFE70];
	v7 =	vmul.f32 v13, v7;
	v10 =	vmul.f32 v14, v10  }
0x70: {  	v11 =	vmul.f32 v13, v11;
	v8 =	vmul.f32 v14, v8;
	v13 =	vld [tilespmem:s26+$0xFFFFFE80]  }
0x71: {  	v19 =	vld [tilespmem:s26+$0xFFFFFE90];
	v14 =	vbroadcast v6, $0x2;
	v12 =	vmul.f32 v16, v12;
	v7 =	vadd.f32 v10, v7  }
0x72: {  	v8 =	vadd.f32 v8, v11;
	v10 =	vmul.f32 v16, v15;
	v11 =	vld [tilespmem:s26+$0xFFFFFEA0]  }
0x73: {  	v15 =	vbroadcast v6, $0x3;
	v16 =	vld [tilespmem:s26+$0xFFFFFEB0];
	v7 =	vadd.f32 v7, v12;
	v12 =	vmul.f32 v14, v17  }
0x74: {  	v14 =	vmul.f32 v14, v18;
	v8 =	vadd.f32 v8, v10;
	v10 =	vld [tilespmem:s26+$0xFFFFFEC0]  }
0x75: {  	v17 =	vbroadcast v6, $0x4;
	v18 =	vld [tilespmem:s26+$0xFFFFFED0];
	v7 =	vadd.f32 v7, v12;
	v12 =	vmul.f32 v15, v13  }
0x76: {  	v13 =	vmul.f32 v19, v15;
	v8 =	vadd.f32 v8, v14  }
0x77: {  	v6 =	vbroadcast v6, $0x5;
	v11 =	vmul.f32 v11, v17;
	v7 =	vadd.f32 v7, v12  }
0x78: {  	v12 =	vmul.f32 v16, v17;
	v8 =	vadd.f32 v8, v13  }
0x79: {  	v10 =	vmul.f32 v10, v6;
	v7 =	vadd.f32 v7, v11  }
0x7a: {  	v9 =	vmul.f32 v9, v5;
	v6 =	vmul.f32 v18, v6;
	v8 =	vadd.f32 v8, v12  }
0x7b: {  	s4 =	simm.s32 $0x8060;
	v7 =	vadd.f32 v7, v10  }
0x7c: {  	[tilespmem:s4+$0xFFFFFFC0] =	vst v9;
	v6 =	vadd.f32 v6, v8  }
0x7d: {  	[tilespmem:s4+$0xFFFFFFA0] =	vst v7  }
0x7e: {  	[tilespmem:s4+$0xFFFFFFB0] =	vst v6  }
0x7f: {  	v6 =	vld [tilespmem:s1+$0xFFFFFFF0]  }
0x80: {  	v7 =	vld [tilespmem:s26+$0xFFFFFFF0];
	_ =	sdelay $0x4  }
0x81: {  	v6 =	vsub.f32 v6, v7;
	_ =	sdelay $0x1  }
0x82: {  	v7 =	vbroadcast v6, $0x0;
	v8 =	vbroadcast v6, $0x1;
	_ =	sdelay $0x1  }
0x83: {  	v7 =	vmul.f32 v7, v1;
	v8 =	vmul.f32 v8, v2;
	_ =	sdelay $0x1  }
0x84: {  	v7 =	vadd.f32 v8, v7  }
0x85: {  	v6 =	vand.u32 $0x7FFFFFFF, v6  }
0x86: {  	v8 =	vbroadcast v6, $0x0;
	v6 =	vbroadcast v6, $0x1;
	v7 =	vadd.f32 v7, v3;
	_ =	sdelay $0x1  }
0x87: {  	v10 =	vld [tilespmem:s26+$0xFFFFFF10];
	v6 =	vmax.f32 v8, v6;
	v7 =	vmax.f32 v7, $0.0e+00  }
0x88: {  	v11 =	vld [tilespmem:s26+$0xFFFFFFE0];
	vm13 =	vlt.f32 v6, $2.000000030e-01;
	v6 =	vadd.f32 v7, v4  }
0x89: {  	v9 =	vsel vm13, $0x3F800000, v0;
	v7 =	vld [tilespmem:s26+$0xFFFFFFD0]  }
0x8a: {  	v8 =	vld [tilespmem:s26+$0xFFFFFF20];
	v6 =	vmul.f32 v6, v9  }
0x8b: {  	v12 =	vld [tilespmem:s26+$0xFFFFFF30]  }
0x8c: {  	v13 =	vld [tilespmem:s26+$0xFFFFFF40];
	v14 =	vbroadcast v6, $0x6;
	v15 =	vbroadcast v6, $0x0  }
0x8d: {  	v16 =	vld [tilespmem:s26+$0xFFFFFF50];
	v17 =	vbroadcast v6, $0x1  }
0x8e: {  	v18 =	vld [tilespmem:s26+$0xFFFFFF60];
	v7 =	vmul.f32 v14, v7;
	v10 =	vmul.f32 v15, v10  }
0x8f: {  	v19 =	vld [tilespmem:s26+$0xFFFFFF70];
	v11 =	vmul.f32 v14, v11;
	v8 =	vmul.f32 v15, v8  }
0x90: {  	v14 =	vld [tilespmem:s26+$0xFFFFFF80];
	v15 =	vbroadcast v6, $0x2;
	v7 =	vadd.f32 v10, v7;
	v10 =	vmul.f32 v17, v12  }
0x91: {  	v13 =	vmul.f32 v17, v13;
	v12 =	vld [tilespmem:s26+$0xFFFFFF90];
	v8 =	vadd.f32 v8, v11  }
0x92: {  	v11 =	vld [tilespmem:s26+$0xFFFFFFA0];
	v17 =	vbroadcast v6, $0x3;
	v7 =	vadd.f32 v7, v10;
	v10 =	vmul.f32 v15, v16  }
0x93: {  	v16 =	vld [tilespmem:s26+$0xFFFFFFB0];
	v15 =	vmul.f32 v15, v18;
	v8 =	vadd.f32 v8, v13  }
0x94: {  	v13 =	vld [tilespmem:s26+$0xFFFFFFC0];
	v18 =	vbroadcast v6, $0x4;
	v7 =	vadd.f32 v7, v10;
	v10 =	vmul.f32 v17, v19  }
0x95: {  	v14 =	vmul.f32 v14, v17;
	v8 =	vadd.f32 v8, v15  }
0x96: {  	v6 =	vbroadcast v6, $0x5;
	v7 =	vadd.f32 v7, v10;
	v10 =	vmul.f32 v12, v18  }
0x97: {  	v11 =	vmul.f32 v11, v18;
	v8 =	vadd.f32 v8, v14  }
0x98: {  	v7 =	vadd.f32 v7, v10;
	v10 =	vmul.f32 v16, v6  }
0x99: {  	v9 =	vmul.f32 v9, v5;
	v6 =	vmul.f32 v13, v6;
	v8 =	vadd.f32 v8, v11  }
0x9a: {  	v7 =	vadd.f32 v7, v10  }
0x9b: {  	[tilespmem:s4+$0xFFFFFFF0] =	vst v9;
	v6 =	vadd.f32 v6, v8  }
0x9c: {  	[tilespmem:s4+$0xFFFFFFD0] =	vst v7  }
0x9d: {  	[tilespmem:s4+$0xFFFFFFE0] =	vst v6  }
0x9e: {  	v6 =	vld [tilespmem:s1+$0x0]  }
0x9f: {  	v7 =	vld [tilespmem:s26+$0xE0];
	_ =	sdelay $0x4  }
0xa0: {  	v6 =	vsub.f32 v6, v7;
	_ =	sdelay $0x1  }
0xa1: {  	v7 =	vbroadcast v6, $0x0;
	v8 =	vbroadcast v6, $0x1;
	_ =	sdelay $0x1  }
0xa2: {  	v7 =	vmul.f32 v7, v1;
	v8 =	vmul.f32 v8, v2;
	_ =	sdelay $0x1  }
0xa3: {  	v7 =	vadd.f32 v8, v7  }
0xa4: {  	v6 =	vand.u32 $0x7FFFFFFF, v6  }
0xa5: {  	v8 =	vbroadcast v6, $0x0;
	v6 =	vbroadcast v6, $0x1;
	v7 =	vadd.f32 v7, v3;
	_ =	sdelay $0x1  }
0xa6: {  	v10 =	vld [tilespmem:s26+$0x0];
	v6 =	vmax.f32 v8, v6;
	v7 =	vmax.f32 v7, $0.0e+00  }
0xa7: {  	v11 =	vld [tilespmem:s26+$0xD0];
	vm14 =	vlt.f32 v6, $2.000000030e-01;
	v6 =	vadd.f32 v7, v4  }
0xa8: {  	v9 =	vsel vm14, $0x3F800000, v0;
	v7 =	vld [tilespmem:s26+$0xC0]  }
0xa9: {  	v8 =	vld [tilespmem:s26+$0x10];
	v6 =	vmul.f32 v6, v9  }
0xaa: {  	v12 =	vld [tilespmem:s26+$0x20]  }
0xab: {  	v13 =	vld [tilespmem:s26+$0x30];
	v14 =	vbroadcast v6, $0x6;
	v15 =	vbroadcast v6, $0x0  }
0xac: {  	v16 =	vld [tilespmem:s26+$0x40];
	v17 =	vbroadcast v6, $0x1  }
0xad: {  	v18 =	vld [tilespmem:s26+$0x50];
	v7 =	vmul.f32 v14, v7;
	v10 =	vmul.f32 v15, v10  }
0xae: {  	v19 =	vld [tilespmem:s26+$0x60];
	v11 =	vmul.f32 v14, v11;
	v8 =	vmul.f32 v15, v8  }
0xaf: {  	v14 =	vld [tilespmem:s26+$0x70];
	v15 =	vbroadcast v6, $0x2;
	v12 =	vmul.f32 v17, v12;
	v7 =	vadd.f32 v10, v7  }
0xb0: {  	v10 =	vld [tilespmem:s26+$0x80];
	v8 =	vadd.f32 v8, v11;
	v11 =	vmul.f32 v17, v13  }
0xb1: {  	v13 =	vld [tilespmem:s26+$0x90];
	v17 =	vbroadcast v6, $0x3;
	v7 =	vadd.f32 v7, v12;
	v12 =	vmul.f32 v15, v16  }
0xb2: {  	v16 =	vld [tilespmem:s26+$0xA0];
	v15 =	vmul.f32 v15, v18;
	v8 =	vadd.f32 v8, v11  }
0xb3: {  	v11 =	vld [tilespmem:s26+$0xB0];
	v18 =	vbroadcast v6, $0x4;
	v7 =	vadd.f32 v7, v12;
	v12 =	vmul.f32 v17, v19  }
0xb4: {  	v14 =	vmul.f32 v14, v17;
	v8 =	vadd.f32 v8, v15  }
0xb5: {  	v6 =	vbroadcast v6, $0x5;
	v10 =	vmul.f32 v10, v18;
	v7 =	vadd.f32 v7, v12  }
0xb6: {  	v12 =	vmul.f32 v13, v18;
	v8 =	vadd.f32 v8, v14  }
0xb7: {  	v7 =	vadd.f32 v7, v10;
	v10 =	vmul.f32 v16, v6  }
0xb8: {  	v9 =	vmul.f32 v9, v5;
	v6 =	vmul.f32 v11, v6;
	v8 =	vadd.f32 v8, v12  }
0xb9: {  	v7 =	vadd.f32 v7, v10  }
0xba: {  	[tilespmem:s4+$0x20] =	vst v9;
	v6 =	vadd.f32 v6, v8  }
0xbb: {  	[tilespmem:s4+$0x0] =	vst v7  }
0xbc: {  	[tilespmem:s4+$0x10] =	vst v6  }
0xbd: {  	v6 =	vld [tilespmem:s1+$0x10]  }
0xbe: {  	v7 =	vld [tilespmem:s26+$0x1D0];
	_ =	sdelay $0x4  }
0xbf: {  	v6 =	vsub.f32 v6, v7;
	_ =	sdelay $0x1  }
0xc0: {  	v7 =	vbroadcast v6, $0x0;
	v8 =	vbroadcast v6, $0x1;
	_ =	sdelay $0x1  }
0xc1: {  	v7 =	vmul.f32 v7, v1;
	v8 =	vmul.f32 v8, v2;
	_ =	sdelay $0x1  }
0xc2: {  	v7 =	vadd.f32 v8, v7  }
0xc3: {  	v9 =	vld [tilespmem:s26+$0x1B0];
	v6 =	vand.u32 $0x7FFFFFFF, v6  }
0xc4: {  	v12 =	vld [tilespmem:s26+$0x1C0];
	v8 =	vbroadcast v6, $0x0;
	v6 =	vbroadcast v6, $0x1;
	v7 =	vadd.f32 v7, v3  }
0xc5: {  	v16 =	vld [tilespmem:s26+$0xF0]  }
0xc6: {  	v17 =	vld [tilespmem:s26+$0x100];
	v6 =	vmax.f32 v8, v6;
	v7 =	vmax.f32 v7, $0.0e+00  }
0xc7: {  	v20 =	vld [tilespmem:s26+$0x110];
	vm15 =	vlt.f32 v6, $2.000000030e-01;
	v7 =	vadd.f32 v7, v4  }
0xc8: {  	v18 =	vld [tilespmem:s26+$0x120];
	v8 =	vsel vm15, $0x3F800000, v0  }
0xc9: {  	v13 =	vld [tilespmem:s26+$0x140];
	v14 =	vmul.f32 v7, v8  }
0xca: {  	v10 =	vld [tilespmem:s26+$0x160];
	v19 =	vmul.f32 v8, v5  }
0xcb: {  	v11 =	vld [tilespmem:s26+$0x180];
	v21 =	vbroadcast v14, $0x6;
	v22 =	vbroadcast v14, $0x0  }
0xcc: {  	v6 =	vld [tilespmem:s26+$0x130];
	v23 =	vbroadcast v14, $0x1;
	v15 =	vbroadcast v14, $0x2  }
0xcd: {  	v7 =	vld [tilespmem:s26+$0x150];
	v24 =	vmul.f32 v21, v9;
	v21 =	vmul.f32 v21, v12  }
0xce: {  	v8 =	vld [tilespmem:s26+$0x170];
	v25 =	vmul.f32 v22, v16;
	v22 =	vmul.f32 v22, v17  }
0xcf: {  	v9 =	vld [tilespmem:s26+$0x190];
	v17 =	vmul.f32 v23, v18;
	v16 =	vbroadcast v14, $0x3  }
0xd0: {  	s7 =	simm.s32 $0x0;
	s8 =	simm.s32 $0x8120;
	v12 =	vld [tilespmem:s26+$0x1A0];
	[tilespmem:s4+$0x50] =	vst v19;
	v20 =	vmul.f32 v23, v20;
	v19 =	vadd.f32 v25, v24;
	v18 =	vadd.f32 v22, v21  }
.LBB2_5:
0xd1: {  	s7 =	sadd.s32 $0x4, s7;
	v13 =	vmul.f32 v15, v13;
	v21 =	vbroadcast v14, $0x4;
	s1 =	sadd.s32 $0x40, s1;
	s26 =	sadd.s32 $0x3C0, s26  }
0xd2: {  	v6 =	vmul.f32 v15, v6;
	p0 =	slt.u32 s7, $0x7C;
	v19 =	vadd.f32 v19, v20;
	v17 =	vadd.f32 v18, v17  }
0xd3: {  	v10 =	vmul.f32 v10, v16;
	v14 =	vbroadcast v14, $0x5  }
0xd4: {  	v7 =	vmul.f32 v16, v7;
	v6 =	vadd.f32 v19, v6;
	v13 =	vadd.f32 v17, v13  }
0xd5: {  	v11 =	vmul.f32 v11, v21  }
0xd6: {  	v8 =	vmul.f32 v8, v21;
	v6 =	vadd.f32 v6, v7;
	v7 =	vadd.f32 v13, v10  }
0xd7: {  	v10 =	vmul.f32 v12, v14  }
0xd8: {  	v6 =	vadd.f32 v6, v8;
	v7 =	vadd.f32 v7, v11;
	v8 =	vmul.f32 v9, v14;
	_ =	sdelay $0x1  }
0xd9: {  	v6 =	vadd.f32 v6, v8;
	v7 =	vadd.f32 v10, v7;
	_ =	sdelay $0x1  }
0xda: {  	[tilespmem:s4+$0x30] =	vst v6  }
0xdb: {  	[tilespmem:s4+$0x40] =	vst v7;
	s4 =	smov.u32 s8  }
0xdc: {  	v6 =	vld [tilespmem:s26+$0xFFFFFF00]  }
0xdd: {  	v7 =	vld [tilespmem:s1+$0xFFFFFFE0];
	_ =	sdelay $0x4  }
0xde: {  	v6 =	vsub.f32 v7, v6;
	_ =	sdelay $0x1  }
0xdf: {  	v7 =	vand.u32 $0x7FFFFFFF, v6;
	v8 =	vbroadcast v6, $0x0;
	v6 =	vbroadcast v6, $0x1  }
0xe0: {  	v9 =	vbroadcast v7, $0x0;
	v7 =	vbroadcast v7, $0x1  }
0xe1: {  	v8 =	vmul.f32 v8, v1;
	v6 =	vmul.f32 v6, v2  }
0xe2: {  	v7 =	vmax.f32 v9, v7  }
0xe3: {  	vm0 =	vlt.f32 v7, $2.000000030e-01;
	v6 =	vadd.f32 v6, v8;
	_ =	sdelay $0x1  }
0xe4: {  	v6 =	vadd.f32 v6, v3;
	_ =	sdelay $0x1  }
0xe5: {  	v6 =	vmax.f32 v6, $0.0e+00;
	v7 =	vld [tilespmem:s26+$0xFFFFFE30]  }
0xe6: {  	v6 =	vadd.f32 v6, v4;
	v8 =	vld [tilespmem:s26+$0xFFFFFEF0]  }
0xe7: {  	v9 =	vsel vm0, $0x3F800000, v0;
	v10 =	vld [tilespmem:s26+$0xFFFFFEE0]  }
0xe8: {  	v6 =	vmul.f32 v6, v9;
	v11 =	vld [tilespmem:s26+$0xFFFFFE20];
	v9 =	vmul.f32 v9, v5  }
0xe9: {  	v12 =	vld [tilespmem:s26+$0xFFFFFE40]  }
0xea: {  	v13 =	vbroadcast v6, $0x6;
	v14 =	vbroadcast v6, $0x0;
	v15 =	vld [tilespmem:s26+$0xFFFFFE50]  }
0xeb: {  	v16 =	vbroadcast v6, $0x1;
	v17 =	vbroadcast v6, $0x2;
	v18 =	vld [tilespmem:s26+$0xFFFFFE70]  }
0xec: {  	v10 =	vmul.f32 v13, v10;
	v8 =	vmul.f32 v13, v8;
	v13 =	vld [tilespmem:s26+$0xFFFFFE60]  }
0xed: {  	v7 =	vmul.f32 v14, v7;
	v11 =	vmul.f32 v14, v11;
	v14 =	vld [tilespmem:s26+$0xFFFFFE90]  }
0xee: {  	v20 =	vbroadcast v6, $0x3;
	v12 =	vmul.f32 v16, v12;
	v19 =	vld [tilespmem:s26+$0xFFFFFE80]  }
0xef: {  	v7 =	vadd.f32 v7, v8;
	v10 =	vadd.f32 v11, v10;
	v8 =	vmul.f32 v16, v15;
	v11 =	vld [tilespmem:s26+$0xFFFFFEB0]  }
0xf0: {  	v15 =	vmul.f32 v17, v18;
	v16 =	vld [tilespmem:s26+$0xFFFFFEA0];
	v18 =	vbroadcast v6, $0x4  }
0xf1: {  	v10 =	vadd.f32 v10, v12;
	v7 =	vadd.f32 v7, v8;
	v8 =	vmul.f32 v17, v13;
	v12 =	vld [tilespmem:s26+$0xFFFFFED0]  }
0xf2: {  	v6 =	vbroadcast v6, $0x5;
	v13 =	vmul.f32 v14, v20;
	v14 =	vld [tilespmem:s26+$0xFFFFFEC0]  }
0xf3: {  	v8 =	vadd.f32 v10, v8;
	v7 =	vadd.f32 v7, v15;
	v10 =	vmul.f32 v20, v19  }
0xf4: {  	v11 =	vmul.f32 v11, v18  }
0xf5: {  	v8 =	vadd.f32 v8, v10;
	v7 =	vadd.f32 v7, v13;
	v10 =	vmul.f32 v16, v18  }
0xf6: {  	v12 =	vmul.f32 v12, v6  }
0xf7: {  	v8 =	vadd.f32 v8, v10;
	v7 =	vadd.f32 v7, v11;
	v6 =	vmul.f32 v14, v6;
	_ =	sdelay $0x1  }
0xf8: {  	v6 =	vadd.f32 v8, v6;
	v7 =	vadd.f32 v12, v7  }
0xf9: {  	[tilespmem:s8+$0xFFFFFFC0] =	vst v9  }
0xfa: {  	[tilespmem:s8+$0xFFFFFFA0] =	vst v6  }
0xfb: {  	[tilespmem:s8+$0xFFFFFFB0] =	vst v7  }
0xfc: {  	v6 =	vld [tilespmem:s1+$0xFFFFFFF0]  }
0xfd: {  	v7 =	vld [tilespmem:s26+$0xFFFFFFF0];
	_ =	sdelay $0x4  }
0xfe: {  	v6 =	vsub.f32 v6, v7  }
0xff: {  	v7 =	vld [tilespmem:s26+$0xFFFFFFC0]  }
0x100: {  	v8 =	vand.u32 $0x7FFFFFFF, v6;
	v9 =	vbroadcast v6, $0x0;
	v6 =	vbroadcast v6, $0x1;
	v10 =	vld [tilespmem:s26+$0xFFFFFF50]  }
0x101: {  	v11 =	vbroadcast v8, $0x0;
	v8 =	vbroadcast v8, $0x1;
	v12 =	vld [tilespmem:s26+$0xFFFFFF70]  }
0x102: {  	v9 =	vmul.f32 v9, v1;
	v6 =	vmul.f32 v6, v2;
	v13 =	vld [tilespmem:s26+$0xFFFFFFA0]  }
0x103: {  	v8 =	vmax.f32 v11, v8;
	v11 =	vld [tilespmem:s26+$0xFFFFFFB0]  }
0x104: {  	vm0 =	vlt.f32 v8, $2.000000030e-01;
	v6 =	vadd.f32 v6, v9;
	v8 =	vld [tilespmem:s26+$0xFFFFFF90]  }
0x105: {  	v9 =	vld [tilespmem:s26+$0xFFFFFF80]  }
0x106: {  	v6 =	vadd.f32 v6, v3;
	v14 =	vld [tilespmem:s26+$0xFFFFFF60]  }
0x107: {  	v15 =	vld [tilespmem:s26+$0xFFFFFF40]  }
0x108: {  	v6 =	vmax.f32 v6, $0.0e+00;
	v16 =	vld [tilespmem:s26+$0xFFFFFF20]  }
0x109: {  	v6 =	vadd.f32 v6, v4;
	v17 =	vld [tilespmem:s26+$0xFFFFFFE0]  }
0x10a: {  	v18 =	vsel vm0, $0x3F800000, v0;
	v19 =	vld [tilespmem:s26+$0xFFFFFFD0]  }
0x10b: {  	v6 =	vmul.f32 v6, v18;
	v20 =	vld [tilespmem:s26+$0xFFFFFF10];
	v18 =	vmul.f32 v18, v5  }
0x10c: {  	v21 =	vld [tilespmem:s26+$0xFFFFFF30]  }
0x10d: {  	v22 =	vbroadcast v6, $0x6;
	v23 =	vbroadcast v6, $0x0;
	[tilespmem:s8+$0xFFFFFFF0] =	vst v18  }
0x10e: {  	v18 =	vbroadcast v6, $0x1;
	v24 =	vbroadcast v6, $0x3  }
0x10f: {  	v19 =	vmul.f32 v22, v19;
	v17 =	vmul.f32 v22, v17  }
0x110: {  	v16 =	vmul.f32 v23, v16;
	v20 =	vmul.f32 v23, v20  }
0x111: {  	v15 =	vmul.f32 v18, v15;
	v22 =	vbroadcast v6, $0x2  }
0x112: {  	v16 =	vadd.f32 v16, v17;
	v17 =	vmul.f32 v18, v21;
	v19 =	vadd.f32 v20, v19  }
0x113: {  	v14 =	vmul.f32 v22, v14;
	v18 =	vbroadcast v6, $0x4  }
0x114: {  	v10 =	vmul.f32 v22, v10;
	v15 =	vadd.f32 v16, v15;
	v17 =	vadd.f32 v19, v17  }
0x115: {  	v9 =	vmul.f32 v9, v24;
	v6 =	vbroadcast v6, $0x5  }
0x116: {  	v12 =	vmul.f32 v24, v12;
	v14 =	vadd.f32 v15, v14;
	v10 =	vadd.f32 v17, v10  }
0x117: {  	v13 =	vmul.f32 v13, v18  }
0x118: {  	v8 =	vmul.f32 v8, v18;
	v9 =	vadd.f32 v14, v9;
	v10 =	vadd.f32 v10, v12  }
0x119: {  	v7 =	vmul.f32 v7, v6  }
0x11a: {  	v6 =	vmul.f32 v11, v6;
	v9 =	vadd.f32 v9, v13;
	v8 =	vadd.f32 v10, v8;
	_ =	sdelay $0x1  }
0x11b: {  	v7 =	vadd.f32 v7, v9;
	v6 =	vadd.f32 v8, v6;
	_ =	sdelay $0x1  }
0x11c: {  	[tilespmem:s8+$0xFFFFFFD0] =	vst v6  }
0x11d: {  	[tilespmem:s8+$0xFFFFFFE0] =	vst v7  }
0x11e: {  	v6 =	vld [tilespmem:s1+$0x0]  }
0x11f: {  	v7 =	vld [tilespmem:s26+$0xE0];
	_ =	sdelay $0x4  }
0x120: {  	v6 =	vsub.f32 v6, v7  }
0x121: {  	v7 =	vld [tilespmem:s26+$0x80]  }
0x122: {  	v8 =	vand.u32 $0x7FFFFFFF, v6;
	v9 =	vbroadcast v6, $0x0;
	v6 =	vbroadcast v6, $0x1;
	v10 =	vld [tilespmem:s26+$0x70]  }
0x123: {  	v11 =	vbroadcast v8, $0x0;
	v8 =	vbroadcast v8, $0x1;
	v12 =	vld [tilespmem:s26+$0xA0]  }
0x124: {  	v9 =	vmul.f32 v9, v1;
	v6 =	vmul.f32 v6, v2;
	v13 =	vld [tilespmem:s26+$0x50]  }
0x125: {  	v8 =	vmax.f32 v11, v8;
	v11 =	vld [tilespmem:s26+$0xB0]  }
0x126: {  	vm0 =	vlt.f32 v8, $2.000000030e-01;
	v6 =	vadd.f32 v6, v9;
	v8 =	vld [tilespmem:s26+$0x90]  }
0x127: {  	v9 =	vld [tilespmem:s26+$0x60]  }
0x128: {  	v6 =	vadd.f32 v6, v3;
	v14 =	vld [tilespmem:s26+$0x40]  }
0x129: {  	v15 =	vld [tilespmem:s26+$0x30]  }
0x12a: {  	v6 =	vmax.f32 v6, $0.0e+00;
	v16 =	vld [tilespmem:s26+$0x10]  }
0x12b: {  	v6 =	vadd.f32 v6, v4;
	v17 =	vld [tilespmem:s26+$0xD0]  }
0x12c: {  	v18 =	vsel vm0, $0x3F800000, v0;
	v19 =	vld [tilespmem:s26+$0xC0]  }
0x12d: {  	v6 =	vmul.f32 v6, v18;
	v20 =	vld [tilespmem:s26+$0x0];
	v18 =	vmul.f32 v18, v5  }
0x12e: {  	v21 =	vld [tilespmem:s26+$0x20]  }
0x12f: {  	v22 =	vbroadcast v6, $0x6;
	v23 =	vbroadcast v6, $0x0;
	[tilespmem:s8+$0x20] =	vst v18  }
0x130: {  	v18 =	vbroadcast v6, $0x1;
	v24 =	vbroadcast v6, $0x2  }
0x131: {  	v19 =	vmul.f32 v22, v19;
	v17 =	vmul.f32 v22, v17  }
0x132: {  	v16 =	vmul.f32 v23, v16;
	v20 =	vmul.f32 v23, v20  }
0x133: {  	v22 =	vbroadcast v6, $0x3;
	v21 =	vmul.f32 v18, v21  }
0x134: {  	v15 =	vmul.f32 v18, v15;
	v16 =	vadd.f32 v16, v17;
	v19 =	vadd.f32 v20, v19  }
0x135: {  	v13 =	vmul.f32 v24, v13;
	v17 =	vbroadcast v6, $0x4  }
0x136: {  	v14 =	vmul.f32 v24, v14;
	v15 =	vadd.f32 v16, v15;
	v18 =	vadd.f32 v19, v21  }
0x137: {  	v10 =	vmul.f32 v10, v22;
	v6 =	vbroadcast v6, $0x5  }
0x138: {  	v9 =	vmul.f32 v22, v9;
	v13 =	vadd.f32 v15, v13;
	v14 =	vadd.f32 v18, v14  }
0x139: {  	v8 =	vmul.f32 v8, v17  }
0x13a: {  	v7 =	vmul.f32 v7, v17;
	v10 =	vadd.f32 v13, v10;
	v9 =	vadd.f32 v14, v9  }
0x13b: {  	v11 =	vmul.f32 v11, v6  }
0x13c: {  	v6 =	vmul.f32 v12, v6;
	v8 =	vadd.f32 v10, v8;
	v7 =	vadd.f32 v9, v7;
	_ =	sdelay $0x1  }
0x13d: {  	v6 =	vadd.f32 v7, v6;
	v7 =	vadd.f32 v11, v8;
	_ =	sdelay $0x1  }
0x13e: {  	[tilespmem:s8+$0x0] =	vst v6  }
0x13f: {  	[tilespmem:s8+$0x10] =	vst v7  }
0x140: {  	v6 =	vld [tilespmem:s1+$0x10]  }
0x141: {  	v7 =	vld [tilespmem:s26+$0x1D0]  }
0x142: {  	v16 =	vld [tilespmem:s26+$0x1B0]  }
0x143: {  	v17 =	vld [tilespmem:s26+$0x1C0]  }
0x144: {  	v18 =	vld [tilespmem:s26+$0xF0]  }
0x145: {  	v19 =	vld [tilespmem:s26+$0x100]  }
0x146: {  	v6 =	vsub.f32 v6, v7;
	v20 =	vld [tilespmem:s26+$0x110]  }
0x147: {  	v21 =	vld [tilespmem:s26+$0x120]  }
0x148: {  	v7 =	vand.u32 $0x7FFFFFFF, v6;
	v8 =	vbroadcast v6, $0x0;
	v9 =	vbroadcast v6, $0x1;
	v6 =	vld [tilespmem:s26+$0x130]  }
0x149: {  	v10 =	vbroadcast v7, $0x0;
	v11 =	vbroadcast v7, $0x1;
	v13 =	vld [tilespmem:s26+$0x140]  }
0x14a: {  	v8 =	vmul.f32 v8, v1;
	v9 =	vmul.f32 v9, v2;
	v7 =	vld [tilespmem:s26+$0x150]  }
0x14b: {  	v11 =	vmax.f32 v10, v11;
	v10 =	vld [tilespmem:s26+$0x160]  }
0x14c: {  	vm0 =	vlt.f32 v11, $2.000000030e-01;
	v9 =	vadd.f32 v9, v8;
	v8 =	vld [tilespmem:s26+$0x170]  }
0x14d: {  	v11 =	vld [tilespmem:s26+$0x180]  }
0x14e: {  	v14 =	vadd.f32 v9, v3;
	v9 =	vld [tilespmem:s26+$0x190]  }
0x14f: {  	v12 =	vld [tilespmem:s26+$0x1A0]  }
0x150: {  	v14 =	vmax.f32 v14, $0.0e+00  }
0x151: {  	v14 =	vadd.f32 v14, v4  }
0x152: {  	v15 =	vsel vm0, $0x3F800000, v0  }
0x153: {  	v14 =	vmul.f32 v14, v15;
	v15 =	vmul.f32 v15, v5;
	_ =	sdelay $0x1  }
0x154: {  	v22 =	vbroadcast v14, $0x6;
	v23 =	vbroadcast v14, $0x0;
	[tilespmem:s8+$0x50] =	vst v15  }
.Ltmp1:
0x155: {  	v24 =	vbroadcast v14, $0x1;
	v15 =	vbroadcast v14, $0x2;
	(pc) =	sbr.rel @p0 .LBB2_5-.Ltmp1, $4  }
0x156: {  	v25 =	vmul.f32 v22, v16;
	v22 =	vmul.f32 v22, v17  }
0x157: {  	v18 =	vmul.f32 v23, v18;
	v23 =	vmul.f32 v23, v19  }
0x158: {  	v17 =	vmul.f32 v24, v21;
	v16 =	vbroadcast v14, $0x3  }
0x159: {  	s8 =	sadd.s32 $0xC0, s8;
	v20 =	vmul.f32 v24, v20;
	v19 =	vadd.f32 v18, v25;
	v18 =	vadd.f32 v23, v22  }
0x15a: {  	_ = 	snop  }
0x15b: {  	v6 =	vmul.f32 v15, v6;
	v19 =	vadd.f32 v19, v20  }
0x15c: {  	v13 =	vmul.f32 v15, v13;
	v59 =	vadd.f32 v18, v17  }
0x15d: {  	v60 =	vbroadcast v14, $0x4;
	v7 =	vmul.f32 v16, v7;
	v6 =	vadd.f32 v19, v6  }
0x15e: {  	v10 =	vmul.f32 v10, v16;
	v13 =	vadd.f32 v59, v13  }
0x15f: {  	v61 =	vbroadcast v14, $0x5;
	v6 =	vadd.f32 v6, v7;
	v7 =	vmul.f32 v8, v60  }
0x160: {  	v62 =	vmul.f32 v11, v60;
	v10 =	vadd.f32 v13, v10  }
0x161: {  	v6 =	vadd.f32 v6, v7;
	v7 =	vmul.f32 v9, v61  }
0x162: {  	v63 =	vmul.f32 v12, v61;
	v8 =	vadd.f32 v10, v62  }
0x163: {  	v6 =	vadd.f32 v6, v7  }
0x164: {  	s23 =	sadd.s32 $0x1, s23;
	v7 =	vadd.f32 v63, v8  }
0x165: {  	p0 =	sne.s32 s23, $0x19;
	[tilespmem:s4+$0x30] =	vst v6  }
.Ltmp2:
0x166: {  	[tilespmem:s4+$0x40] =	vst v7;
	(pc) =	sbr.rel @p0 .LBB2_4-.Ltmp2, $4  }
0x167: {  	[spmem:s3] =	stream.indirect.scatter.add.f32 [tilespmem:s21], [sflag:$0x3], $0x30, s24, s28, $0xb8;
	[tilespmem:$0x1A180] =	vst v63  }
0x168: {  	_ =	swait.ge [sflag:s22], $0x1800  }
0x169: {  	[sflag:s22] =	ssyncset.done $0x0  }
0x16a: {  	[sflag:s22] =	ssyncadd.s32 $0xFFFFE800  }
0x16b: {  	s1 =	stileid.u32;
	s0 =	sadd.s32 $0x1, s0  }
0x16c: {  	s1 =	sshll.u32 s1, $0x6;
	p0 =	sne.s32 s0, s11  }
.Ltmp3:
0x16d: {  	[bflag:$0x0] =	sbarrier.arrive $0xFFFF;
	s1 =	sor.u32 $0x1C03, s1;
	(pc) =	sbr.rel @p0 .LBB2_1-.Ltmp3, $4  }
0x16e: {  	[hbm:s9], [sflag:s1] =	dma.local [spmem:s25], $0x1E00  }
0x16f: {  	_ =	swait.ge [sflag:s22], $0x1E00  }
0x170: {  	[sflag:s22] =	ssyncset.done $0x0  }
0x171: {  	[sflag:s22] =	ssyncadd.s32 $0xFFFFE200  }
0x172: {  	_ =	sfence.sel $0x180000  }
0x173: {  	[bflag:$0x0] =	sbarrier.arrive $0xFFFF  }
0x174: {  	_ =	strace $0x90000047  }
0x175: {  	s0 =	stileid.u32;
	[bflag:$0x2] =	sbarrier.arrive $0xFFFF  }
0x176: {  	p0 =	sne.s32 s0, $0x0;
	s0 =	rddreg [dreg:$0x3]  }
0x177: {  	s0 =	sadd.s32 @!p0 $0x100000, s0  }
0x178: {  	[sflag:s0] =	ssyncadd.tile.s32 @!p0 $0x1;
	_ =	shalt  }
.Lfunc_end2:
_tile_overlayer_lowered:
.L_overlay_start_2:
0x179: {  	(tag) =	ssettag $0x2  }
0x17a: {  	s0 =	rddreg [dreg:$0x0];
	s2 =	stileid.u32  }
0x17b: {  	s1 =	rddreg [dreg:$0x1];
	p0 =	sne.s32 s2, $0x0  }
0x17c: {  	s3 =	rddreg [dreg:$0x2];
	[bflag:$0x3] =	sbarrier.arrive $0xFFFF;
	s2 =	simm.s32 @!p0 $0x1C03  }
0x17d: {  	[timem:s3], [sflag:s2] =	dma.local @!p0 [hbm:s0], s1  }
0x17e: {  	s0 =	simm.s32 @!p0 $0x3  }
0x17f: {  	_ =	swait.ge @!p0 [sflag:s0], s1  }
0x180: {  	s1 =	ssub.s32 @!p0 $0x0, s1;
	[sflag:s0] =	ssyncset.done @!p0 $0x0  }
0x181: {  	[sflag:s0] =	ssyncadd.s32 @!p0 s1  }
0x182: {  	[bflag:$0x3] =	sbarrier.arrive $0xFFFF  }
0x183: {  	_ =	shalt  }

</sc_bundles>
